<compile_context>
chip_gen: v7x
topology: tpu7x:2x2x1
jax: 0.10.2.dev20260603
libtpu: 0.0.44.dev20260713+nightly
codegen_flags: <defaults>
</compile_context>

<pallas_src>
import functools

import jax
import jax.numpy as jnp
from jax import lax
from jax.experimental import pallas as pl
from jax.experimental.pallas import tpu as pltpu
from jax.experimental.pallas import tpu_sc as plsc

_CHUNK = 128
_DPAD = 128
_NHALF = 2


@functools.lru_cache(maxsize=None)
def _build_gather(V, D, B):
    info = plsc.get_sparse_core_info()
    NC, NS = info.num_cores, info.num_subcores
    NW = NC * NS
    assert B % (NW * _NHALF * _CHUNK) == 0, (B, NW)
    assert V % (NS * 8) == 0, (V, NS)
    b_per_w = B // NW
    b_half = b_per_w // _NHALF
    n_chunks = b_half // _CHUNK
    assert n_chunks % 4 == 0, n_chunks
    mesh = plsc.VectorSubcoreMesh(core_axis_name="c", subcore_axis_name="s")

    @functools.partial(
        pl.kernel,
        mesh=mesh,
        out_type=jax.ShapeDtypeStruct((B, _DPAD), jnp.float32),
        scratch_types=[
            pltpu.VMEM_SHARED((V, _DPAD), jnp.float32),
            pltpu.VMEM((b_half,), jnp.int32),
            pltpu.VMEM((_CHUNK, _DPAD), jnp.float32),
            pltpu.VMEM((_CHUNK, _DPAD), jnp.float32),
            pltpu.SemaphoreType.DMA,
            pltpu.SemaphoreType.DMA,
            pltpu.SemaphoreType.DMA,
        ],
    )
    def gather_kernel(table_hbm, idx_hbm, out_hbm, tab_s, idx_v,
                      rows0, rows1, sg, so0, so1):
        sid = lax.axis_index("s")
        wid = sid * NC + lax.axis_index("c")
        base = wid * b_per_w

        v_slab = V // NS
        slab = sid * v_slab
        pltpu.sync_copy(table_hbm.at[pl.ds(slab, v_slab)],
                        tab_s.at[pl.ds(slab, v_slab)])

        plsc.subcore_barrier()

        bufs = (rows0, rows1)
        osems = (so0, so1)

        def gather(c, b, src):
            pltpu.async_copy(
                src.at[idx_v.at[pl.ds(c * _CHUNK, _CHUNK)]],
                bufs[b], sg).wait()

        def start_out(hbase, c, b):
            pltpu.async_copy(
                bufs[b], out_hbm.at[pl.ds(hbase + c * _CHUNK, _CHUNK)],
                osems[b])

        def wait_out(b):
            pltpu.make_async_copy(
                bufs[b], out_hbm.at[pl.ds(base, _CHUNK)], osems[b]).wait()

        for h in range(_NHALF):
            hbase = base + h * b_half
            pltpu.sync_copy(idx_hbm.at[pl.ds(hbase, b_half)], idx_v)

            for j in range(4):
                gather(j, j % 2, tab_s)
                if j < 2:
                    start_out(hbase, j, j)
                else:
                    wait_out(j % 2)
                    start_out(hbase, j, j % 2)

            def body(p, carry, hbase=hbase):
                for j in range(4):
                    b = j % 2
                    c = 4 * p + j
                    wait_out(b)
                    gather(c, b, tab_s)
                    start_out(hbase, c, b)
                return carry

            lax.fori_loop(1, n_chunks // 4, body, 0)
            wait_out(0)
            wait_out(1)

    return gather_kernel


def kernel(x, table):
    V, D = table.shape
    B = x.size
    idx = x.reshape(B).astype(jnp.int32)
    v_pad = -V % 128
    table_pad = jnp.pad(table, ((0, v_pad), (0, _DPAD - D)))
    out = _build_gather(V + v_pad, D, B)(table_pad, idx)
    return out.reshape(x.shape + (_DPAD,))[:, :, :D]

# --- scband reference (transcript-rebuilt; emitter-appended) ---
"""Pipeline reference for scband-embedding-10058813407839 (READ-ONLY COPY).

The authoritative reference and input builder live on the scoring server;
editing this copy changes nothing except your own understanding.
"""

import jax, jax.numpy as jnp
import numpy as np

VOCAB_SIZE = 10000
EMBEDDING_DIM = 100

def setup_inputs(seed: int = 0) -> dict:
    key = jax.random.key(seed)
    k1, k2 = jax.random.split(key)
    x = jax.random.randint(k1, (4096, 200), 0, VOCAB_SIZE, dtype=jnp.int64 if jax.config.read('jax_enable_x64') else jnp.int32)
    table = jax.random.normal(k2, (VOCAB_SIZE, EMBEDDING_DIM), dtype=jnp.float32)
    return {"x": x, "table": table}

def reference(x, table):
    # nn.Embedding forward: row gather from the embedding table
    return jnp.take(table, x, axis=0)

if __name__ == "__main__":
    import jax
    _d = setup_inputs()
    print(jax.jit(kernel)(*tuple(_d.values())))

</pallas_src>

<mosaic_0001>
#map = affine_map<(d0, d1) -> (0, 0)>
#map1 = affine_map<(d0, d1) -> (0)>
module attributes {stable_mosaic.version = 14 : i64} {
  func.func @gather_kernel(%arg0: i32, %arg1: i32, %arg2: memref<10112x128xf32, #tpu.memory_space<hbm>>, %arg3: memref<819200xi32, #tpu.memory_space<hbm>>, %arg4: memref<819200x128xf32, #tpu.memory_space<hbm>>, %arg5: memref<10112x128xf32, #tpu.memory_space<vmem_shared>>, %arg6: memref<12800xi32, #tpu.memory_space<vmem>>, %arg7: memref<128x128xf32, #tpu.memory_space<vmem>>, %arg8: memref<128x128xf32, #tpu.memory_space<vmem>>, %arg9: memref<!tpu.dma_semaphore, #tpu.memory_space<semaphore_mem>>, %arg10: memref<!tpu.dma_semaphore, #tpu.memory_space<semaphore_mem>>, %arg11: memref<!tpu.dma_semaphore, #tpu.memory_space<semaphore_mem>>) attributes {dimension_semantics = [#tpu.dimension_semantics<core_parallel>, #tpu.dimension_semantics<subcore_parallel>], iteration_bounds = array<i64: 2, 16>, scalar_prefetch = 0 : i64, scratch_operands = 7 : i64, tpu.core_type = #tpu.core_type<sc_vector_subcore>, window_params = [{transform_indices = #map}, {transform_indices = #map1}, {transform_indices = #map}]} {
    %mul3A = arith.constant 2 : i32
    %mul3A_0 = arith.muli %arg1, %mul3A : i32
    %add3A = arith.addi %mul3A_0, %arg0 : i32
    %mul3A_1 = arith.constant 25600 : i32
    %mul3A_2 = arith.muli %add3A, %mul3A_1 : i32
    %mul3A_3 = arith.constant 632 : i32
    %mul3A_4 = arith.muli %arg1, %mul3A_3 : i32
    "tpu.region"() ({
      %run_scoped3A = tpu.sem_alloc : memref<!tpu.dma_semaphore, #tpu.memory_space<semaphore_mem>>
      %dma_start3A_178 = arith.constant 0 : i32
      %dma_start3A_179 = tpu.memref_slice %arg5[%mul3A_4, %dma_start3A_178] : memref<10112x128xf32, #tpu.memory_space<vmem_shared>> -> memref<632x128xf32, #tpu.memory_space<vmem_shared>>
      %dma_start3A_180 = arith.constant 0 : i32
      %dma_start3A_181 = tpu.memref_slice %arg2[%mul3A_4, %dma_start3A_180] : memref<10112x128xf32, #tpu.memory_space<hbm>> -> memref<632x128xf32, #tpu.memory_space<hbm>>
      tpu.enqueue_dma source(%dma_start3A_181 : memref<632x128xf32, #tpu.memory_space<hbm>>) target(%dma_start3A_179 : memref<632x128xf32, #tpu.memory_space<vmem_shared>>) target_semaphore(%run_scoped3A : memref<!tpu.dma_semaphore, #tpu.memory_space<semaphore_mem>>)
      %dma_wait3A_182 = arith.constant 0 : i32
      %dma_wait3A_183 = tpu.memref_slice %arg5[%mul3A_4, %dma_wait3A_182] : memref<10112x128xf32, #tpu.memory_space<vmem_shared>> -> memref<632x128xf32, #tpu.memory_space<vmem_shared>>
      %dma_wait3A_184 = arith.constant 0 : i32
      %dma_wait3A_185 = tpu.memref_slice %arg2[%mul3A_4, %dma_wait3A_184] : memref<10112x128xf32, #tpu.memory_space<hbm>> -> memref<632x128xf32, #tpu.memory_space<hbm>>
      tpu.wait_dma2 semaphore(%run_scoped3A : memref<!tpu.dma_semaphore, #tpu.memory_space<semaphore_mem>>) src(%dma_wait3A_185 : memref<632x128xf32, #tpu.memory_space<hbm>>) dst(%dma_wait3A_183 : memref<632x128xf32, #tpu.memory_space<vmem_shared>>)
      tpu.yield
    }) : () -> ()
    %barrier3A = arith.constant 0 : index
    tpu.barrier barrier_id(%barrier3A)
    %add3A_5 = arith.constant 0 : i32
    %add3A_6 = arith.addi %mul3A_2, %add3A_5 : i32
    "tpu.region"() ({
      %run_scoped3A = tpu.sem_alloc : memref<!tpu.dma_semaphore, #tpu.memory_space<semaphore_mem>>
      %dma_start3A_178 = tpu.memref_slice %arg3[%add3A_6] : memref<819200xi32, #tpu.memory_space<hbm>> -> memref<12800xi32, #tpu.memory_space<hbm>>
      %dma_start3A_179 = tpu.memref_slice %arg3[%add3A_6] : memref<819200xi32, #tpu.memory_space<hbm>> -> memref<12800xi32, #tpu.memory_space<hbm>>
      tpu.enqueue_dma source(%dma_start3A_179 : memref<12800xi32, #tpu.memory_space<hbm>>) target(%arg6 : memref<12800xi32, #tpu.memory_space<vmem>>) target_semaphore(%run_scoped3A : memref<!tpu.dma_semaphore, #tpu.memory_space<semaphore_mem>>)
      %dma_wait3A_180 = tpu.memref_slice %arg3[%add3A_6] : memref<819200xi32, #tpu.memory_space<hbm>> -> memref<12800xi32, #tpu.memory_space<hbm>>
      %dma_wait3A_181 = tpu.memref_slice %arg3[%add3A_6] : memref<819200xi32, #tpu.memory_space<hbm>> -> memref<12800xi32, #tpu.memory_space<hbm>>
      tpu.wait_dma2 semaphore(%run_scoped3A : memref<!tpu.dma_semaphore, #tpu.memory_space<semaphore_mem>>) src(%dma_wait3A_181 : memref<12800xi32, #tpu.memory_space<hbm>>) dst(%arg6 : memref<12800xi32, #tpu.memory_space<vmem>>)
      tpu.yield
    }) : () -> ()
    %dma_start3A = arith.constant 0 : i32
    %dma_start3A_7 = tpu.memref_slice %arg6[%dma_start3A] : memref<12800xi32, #tpu.memory_space<vmem>> -> memref<128xi32, #tpu.memory_space<vmem>>
    %dma_start3A_8 = arith.constant 0 : i32
    %dma_start3A_9 = arith.constant 0 : i32
    %dma_start3A_10 = tpu.memref_slice %arg5[%dma_start3A_8, %dma_start3A_9] : memref<10112x128xf32, #tpu.memory_space<vmem_shared>> -> memref<10112x128xf32, #tpu.memory_space<vmem_shared>>
    tpu.enqueue_indirect_dma source(%dma_start3A_10 : memref<10112x128xf32, #tpu.memory_space<vmem_shared>>) target(%arg7 : memref<128x128xf32, #tpu.memory_space<vmem>>) offsets(%dma_start3A_7 : memref<128xi32, #tpu.memory_space<vmem>>) semaphore(%arg9 : memref<!tpu.dma_semaphore, #tpu.memory_space<semaphore_mem>>)
    %dma_wait3A = arith.constant 0 : i32
    %dma_wait3A_11 = tpu.memref_slice %arg6[%dma_wait3A] : memref<12800xi32, #tpu.memory_space<vmem>> -> memref<128xi32, #tpu.memory_space<vmem>>
    %dma_wait3A_12 = arith.constant 0 : i32
    %dma_wait3A_13 = arith.constant 0 : i32
    %dma_wait3A_14 = tpu.memref_slice %arg5[%dma_wait3A_12, %dma_wait3A_13] : memref<10112x128xf32, #tpu.memory_space<vmem_shared>> -> memref<10112x128xf32, #tpu.memory_space<vmem_shared>>
    tpu.wait_indirect_dma semaphore(%arg9 : memref<!tpu.dma_semaphore, #tpu.memory_space<semaphore_mem>>) src(%dma_wait3A_14 : memref<10112x128xf32, #tpu.memory_space<vmem_shared>>) dst(%arg7 : memref<128x128xf32, #tpu.memory_space<vmem>>)
    %add3A_15 = arith.constant 0 : i32
    %add3A_16 = arith.addi %add3A_6, %add3A_15 : i32
    %dma_start3A_17 = arith.constant 0 : i32
    %dma_start3A_18 = tpu.memref_slice %arg4[%add3A_16, %dma_start3A_17] : memref<819200x128xf32, #tpu.memory_space<hbm>> -> memref<128x128xf32, #tpu.memory_space<hbm>>
    %dma_start3A_19 = arith.constant 0 : i32
    %dma_start3A_20 = tpu.memref_slice %arg4[%add3A_16, %dma_start3A_19] : memref<819200x128xf32, #tpu.memory_space<hbm>> -> memref<128x128xf32, #tpu.memory_space<hbm>>
    tpu.enqueue_dma source(%arg7 : memref<128x128xf32, #tpu.memory_space<vmem>>) target(%dma_start3A_20 : memref<128x128xf32, #tpu.memory_space<hbm>>) target_semaphore(%arg10 : memref<!tpu.dma_semaphore, #tpu.memory_space<semaphore_mem>>)
    %dma_start3A_21 = arith.constant 128 : i32
    %dma_start3A_22 = tpu.memref_slice %arg6[%dma_start3A_21] : memref<12800xi32, #tpu.memory_space<vmem>> -> memref<128xi32, #tpu.memory_space<vmem>>
    %dma_start3A_23 = arith.constant 0 : i32
    %dma_start3A_24 = arith.constant 0 : i32
    %dma_start3A_25 = tpu.memref_slice %arg5[%dma_start3A_23, %dma_start3A_24] : memref<10112x128xf32, #tpu.memory_space<vmem_shared>> -> memref<10112x128xf32, #tpu.memory_space<vmem_shared>>
    tpu.enqueue_indirect_dma source(%dma_start3A_25 : memref<10112x128xf32, #tpu.memory_space<vmem_shared>>) target(%arg8 : memref<128x128xf32, #tpu.memory_space<vmem>>) offsets(%dma_start3A_22 : memref<128xi32, #tpu.memory_space<vmem>>) semaphore(%arg9 : memref<!tpu.dma_semaphore, #tpu.memory_space<semaphore_mem>>)
    %dma_wait3A_26 = arith.constant 128 : i32
    %dma_wait3A_27 = tpu.memref_slice %arg6[%dma_wait3A_26] : memref<12800xi32, #tpu.memory_space<vmem>> -> memref<128xi32, #tpu.memory_space<vmem>>
    %dma_wait3A_28 = arith.constant 0 : i32
    %dma_wait3A_29 = arith.constant 0 : i32
    %dma_wait3A_30 = tpu.memref_slice %arg5[%dma_wait3A_28, %dma_wait3A_29] : memref<10112x128xf32, #tpu.memory_space<vmem_shared>> -> memref<10112x128xf32, #tpu.memory_space<vmem_shared>>
    tpu.wait_indirect_dma semaphore(%arg9 : memref<!tpu.dma_semaphore, #tpu.memory_space<semaphore_mem>>) src(%dma_wait3A_30 : memref<10112x128xf32, #tpu.memory_space<vmem_shared>>) dst(%arg8 : memref<128x128xf32, #tpu.memory_space<vmem>>)
    %add3A_31 = arith.constant 128 : i32
    %add3A_32 = arith.addi %add3A_6, %add3A_31 : i32
    %dma_start3A_33 = arith.constant 0 : i32
    %dma_start3A_34 = tpu.memref_slice %arg4[%add3A_32, %dma_start3A_33] : memref<819200x128xf32, #tpu.memory_space<hbm>> -> memref<128x128xf32, #tpu.memory_space<hbm>>
    %dma_start3A_35 = arith.constant 0 : i32
    %dma_start3A_36 = tpu.memref_slice %arg4[%add3A_32, %dma_start3A_35] : memref<819200x128xf32, #tpu.memory_space<hbm>> -> memref<128x128xf32, #tpu.memory_space<hbm>>
    tpu.enqueue_dma source(%arg8 : memref<128x128xf32, #tpu.memory_space<vmem>>) target(%dma_start3A_36 : memref<128x128xf32, #tpu.memory_space<hbm>>) target_semaphore(%arg11 : memref<!tpu.dma_semaphore, #tpu.memory_space<semaphore_mem>>)
    %dma_start3A_37 = arith.constant 256 : i32
    %dma_start3A_38 = tpu.memref_slice %arg6[%dma_start3A_37] : memref<12800xi32, #tpu.memory_space<vmem>> -> memref<128xi32, #tpu.memory_space<vmem>>
    %dma_start3A_39 = arith.constant 0 : i32
    %dma_start3A_40 = arith.constant 0 : i32
    %dma_start3A_41 = tpu.memref_slice %arg5[%dma_start3A_39, %dma_start3A_40] : memref<10112x128xf32, #tpu.memory_space<vmem_shared>> -> memref<10112x128xf32, #tpu.memory_space<vmem_shared>>
    tpu.enqueue_indirect_dma source(%dma_start3A_41 : memref<10112x128xf32, #tpu.memory_space<vmem_shared>>) target(%arg7 : memref<128x128xf32, #tpu.memory_space<vmem>>) offsets(%dma_start3A_38 : memref<128xi32, #tpu.memory_space<vmem>>) semaphore(%arg9 : memref<!tpu.dma_semaphore, #tpu.memory_space<semaphore_mem>>)
    %dma_wait3A_42 = arith.constant 256 : i32
    %dma_wait3A_43 = tpu.memref_slice %arg6[%dma_wait3A_42] : memref<12800xi32, #tpu.memory_space<vmem>> -> memref<128xi32, #tpu.memory_space<vmem>>
    %dma_wait3A_44 = arith.constant 0 : i32
    %dma_wait3A_45 = arith.constant 0 : i32
    %dma_wait3A_46 = tpu.memref_slice %arg5[%dma_wait3A_44, %dma_wait3A_45] : memref<10112x128xf32, #tpu.memory_space<vmem_shared>> -> memref<10112x128xf32, #tpu.memory_space<vmem_shared>>
    tpu.wait_indirect_dma semaphore(%arg9 : memref<!tpu.dma_semaphore, #tpu.memory_space<semaphore_mem>>) src(%dma_wait3A_46 : memref<10112x128xf32, #tpu.memory_space<vmem_shared>>) dst(%arg7 : memref<128x128xf32, #tpu.memory_space<vmem>>)
    %dma_wait3A_47 = arith.constant 0 : i32
    %dma_wait3A_48 = tpu.memref_slice %arg4[%mul3A_2, %dma_wait3A_47] : memref<819200x128xf32, #tpu.memory_space<hbm>> -> memref<128x128xf32, #tpu.memory_space<hbm>>
    %dma_wait3A_49 = arith.constant 0 : i32
    %dma_wait3A_50 = tpu.memref_slice %arg4[%mul3A_2, %dma_wait3A_49] : memref<819200x128xf32, #tpu.memory_space<hbm>> -> memref<128x128xf32, #tpu.memory_space<hbm>>
    tpu.wait_dma2 semaphore(%arg10 : memref<!tpu.dma_semaphore, #tpu.memory_space<semaphore_mem>>) src(%arg7 : memref<128x128xf32, #tpu.memory_space<vmem>>) dst(%dma_wait3A_50 : memref<128x128xf32, #tpu.memory_space<hbm>>)
    %add3A_51 = arith.constant 256 : i32
    %add3A_52 = arith.addi %add3A_6, %add3A_51 : i32
    %dma_start3A_53 = arith.constant 0 : i32
    %dma_start3A_54 = tpu.memref_slice %arg4[%add3A_52, %dma_start3A_53] : memref<819200x128xf32, #tpu.memory_space<hbm>> -> memref<128x128xf32, #tpu.memory_space<hbm>>
    %dma_start3A_55 = arith.constant 0 : i32
    %dma_start3A_56 = tpu.memref_slice %arg4[%add3A_52, %dma_start3A_55] : memref<819200x128xf32, #tpu.memory_space<hbm>> -> memref<128x128xf32, #tpu.memory_space<hbm>>
    tpu.enqueue_dma source(%arg7 : memref<128x128xf32, #tpu.memory_space<vmem>>) target(%dma_start3A_56 : memref<128x128xf32, #tpu.memory_space<hbm>>) target_semaphore(%arg10 : memref<!tpu.dma_semaphore, #tpu.memory_space<semaphore_mem>>)
    %dma_start3A_57 = arith.constant 384 : i32
    %dma_start3A_58 = tpu.memref_slice %arg6[%dma_start3A_57] : memref<12800xi32, #tpu.memory_space<vmem>> -> memref<128xi32, #tpu.memory_space<vmem>>
    %dma_start3A_59 = arith.constant 0 : i32
    %dma_start3A_60 = arith.constant 0 : i32
    %dma_start3A_61 = tpu.memref_slice %arg5[%dma_start3A_59, %dma_start3A_60] : memref<10112x128xf32, #tpu.memory_space<vmem_shared>> -> memref<10112x128xf32, #tpu.memory_space<vmem_shared>>
    tpu.enqueue_indirect_dma source(%dma_start3A_61 : memref<10112x128xf32, #tpu.memory_space<vmem_shared>>) target(%arg8 : memref<128x128xf32, #tpu.memory_space<vmem>>) offsets(%dma_start3A_58 : memref<128xi32, #tpu.memory_space<vmem>>) semaphore(%arg9 : memref<!tpu.dma_semaphore, #tpu.memory_space<semaphore_mem>>)
    %dma_wait3A_62 = arith.constant 384 : i32
    %dma_wait3A_63 = tpu.memref_slice %arg6[%dma_wait3A_62] : memref<12800xi32, #tpu.memory_space<vmem>> -> memref<128xi32, #tpu.memory_space<vmem>>
    %dma_wait3A_64 = arith.constant 0 : i32
    %dma_wait3A_65 = arith.constant 0 : i32
    %dma_wait3A_66 = tpu.memref_slice %arg5[%dma_wait3A_64, %dma_wait3A_65] : memref<10112x128xf32, #tpu.memory_space<vmem_shared>> -> memref<10112x128xf32, #tpu.memory_space<vmem_shared>>
    tpu.wait_indirect_dma semaphore(%arg9 : memref<!tpu.dma_semaphore, #tpu.memory_space<semaphore_mem>>) src(%dma_wait3A_66 : memref<10112x128xf32, #tpu.memory_space<vmem_shared>>) dst(%arg8 : memref<128x128xf32, #tpu.memory_space<vmem>>)
    %dma_wait3A_67 = arith.constant 0 : i32
    %dma_wait3A_68 = tpu.memref_slice %arg4[%mul3A_2, %dma_wait3A_67] : memref<819200x128xf32, #tpu.memory_space<hbm>> -> memref<128x128xf32, #tpu.memory_space<hbm>>
    %dma_wait3A_69 = arith.constant 0 : i32
    %dma_wait3A_70 = tpu.memref_slice %arg4[%mul3A_2, %dma_wait3A_69] : memref<819200x128xf32, #tpu.memory_space<hbm>> -> memref<128x128xf32, #tpu.memory_space<hbm>>
    tpu.wait_dma2 semaphore(%arg11 : memref<!tpu.dma_semaphore, #tpu.memory_space<semaphore_mem>>) src(%arg8 : memref<128x128xf32, #tpu.memory_space<vmem>>) dst(%dma_wait3A_70 : memref<128x128xf32, #tpu.memory_space<hbm>>)
    %add3A_71 = arith.constant 384 : i32
    %add3A_72 = arith.addi %add3A_6, %add3A_71 : i32
    %dma_start3A_73 = arith.constant 0 : i32
    %dma_start3A_74 = tpu.memref_slice %arg4[%add3A_72, %dma_start3A_73] : memref<819200x128xf32, #tpu.memory_space<hbm>> -> memref<128x128xf32, #tpu.memory_space<hbm>>
    %dma_start3A_75 = arith.constant 0 : i32
    %dma_start3A_76 = tpu.memref_slice %arg4[%add3A_72, %dma_start3A_75] : memref<819200x128xf32, #tpu.memory_space<hbm>> -> memref<128x128xf32, #tpu.memory_space<hbm>>
    tpu.enqueue_dma source(%arg8 : memref<128x128xf32, #tpu.memory_space<vmem>>) target(%dma_start3A_76 : memref<128x128xf32, #tpu.memory_space<hbm>>) target_semaphore(%arg11 : memref<!tpu.dma_semaphore, #tpu.memory_space<semaphore_mem>>)
    %scan3A = arith.constant 0 : i32
    %scan3A_77 = arith.constant 1 : i32
    %scan3A_78 = arith.constant 24 : i32
    %scan3A_79 = arith.addi %scan3A_77, %scan3A_78 : i32
    %scan3A_80 = arith.constant 1 : i32
    scf.for %scan3A_178 = %scan3A_77 to %scan3A_79 step %scan3A_80  : i32 {
      %mul3A_179 = arith.constant 4 : i32
      %mul3A_180 = arith.muli %mul3A_179, %scan3A_178 : i32
      %add3A_181 = arith.constant 0 : i32
      %add3A_182 = arith.addi %mul3A_180, %add3A_181 : i32
      %dma_wait3A_183 = arith.constant 0 : i32
      %dma_wait3A_184 = tpu.memref_slice %arg4[%mul3A_2, %dma_wait3A_183] : memref<819200x128xf32, #tpu.memory_space<hbm>> -> memref<128x128xf32, #tpu.memory_space<hbm>>
      %dma_wait3A_185 = arith.constant 0 : i32
      %dma_wait3A_186 = tpu.memref_slice %arg4[%mul3A_2, %dma_wait3A_185] : memref<819200x128xf32, #tpu.memory_space<hbm>> -> memref<128x128xf32, #tpu.memory_space<hbm>>
      tpu.wait_dma2 semaphore(%arg10 : memref<!tpu.dma_semaphore, #tpu.memory_space<semaphore_mem>>) src(%arg7 : memref<128x128xf32, #tpu.memory_space<vmem>>) dst(%dma_wait3A_186 : memref<128x128xf32, #tpu.memory_space<hbm>>)
      %mul3A_187 = arith.constant 128 : i32
      %mul3A_188 = arith.muli %add3A_182, %mul3A_187 : i32
      %dma_start3A_189 = tpu.memref_slice %arg6[%mul3A_188] : memref<12800xi32, #tpu.memory_space<vmem>> -> memref<128xi32, #tpu.memory_space<vmem>>
      %dma_start3A_190 = arith.constant 0 : i32
      %dma_start3A_191 = arith.constant 0 : i32
      %dma_start3A_192 = tpu.memref_slice %arg5[%dma_start3A_190, %dma_start3A_191] : memref<10112x128xf32, #tpu.memory_space<vmem_shared>> -> memref<10112x128xf32, #tpu.memory_space<vmem_shared>>
      tpu.enqueue_indirect_dma source(%dma_start3A_192 : memref<10112x128xf32, #tpu.memory_space<vmem_shared>>) target(%arg7 : memref<128x128xf32, #tpu.memory_space<vmem>>) offsets(%dma_start3A_189 : memref<128xi32, #tpu.memory_space<vmem>>) semaphore(%arg9 : memref<!tpu.dma_semaphore, #tpu.memory_space<semaphore_mem>>)
      %dma_wait3A_193 = tpu.memref_slice %arg6[%mul3A_188] : memref<12800xi32, #tpu.memory_space<vmem>> -> memref<128xi32, #tpu.memory_space<vmem>>
      %dma_wait3A_194 = arith.constant 0 : i32
      %dma_wait3A_195 = arith.constant 0 : i32
      %dma_wait3A_196 = tpu.memref_slice %arg5[%dma_wait3A_194, %dma_wait3A_195] : memref<10112x128xf32, #tpu.memory_space<vmem_shared>> -> memref<10112x128xf32, #tpu.memory_space<vmem_shared>>
      tpu.wait_indirect_dma semaphore(%arg9 : memref<!tpu.dma_semaphore, #tpu.memory_space<semaphore_mem>>) src(%dma_wait3A_196 : memref<10112x128xf32, #tpu.memory_space<vmem_shared>>) dst(%arg7 : memref<128x128xf32, #tpu.memory_space<vmem>>)
      %mul3A_197 = arith.constant 128 : i32
      %mul3A_198 = arith.muli %add3A_182, %mul3A_197 : i32
      %add3A_199 = arith.addi %add3A_6, %mul3A_198 : i32
      %dma_start3A_200 = arith.constant 0 : i32
      %dma_start3A_201 = tpu.memref_slice %arg4[%add3A_199, %dma_start3A_200] : memref<819200x128xf32, #tpu.memory_space<hbm>> -> memref<128x128xf32, #tpu.memory_space<hbm>>
      %dma_start3A_202 = arith.constant 0 : i32
      %dma_start3A_203 = tpu.memref_slice %arg4[%add3A_199, %dma_start3A_202] : memref<819200x128xf32, #tpu.memory_space<hbm>> -> memref<128x128xf32, #tpu.memory_space<hbm>>
      tpu.enqueue_dma source(%arg7 : memref<128x128xf32, #tpu.memory_space<vmem>>) target(%dma_start3A_203 : memref<128x128xf32, #tpu.memory_space<hbm>>) target_semaphore(%arg10 : memref<!tpu.dma_semaphore, #tpu.memory_space<semaphore_mem>>)
      %mul3A_204 = arith.constant 4 : i32
      %mul3A_205 = arith.muli %mul3A_204, %scan3A_178 : i32
      %add3A_206 = arith.constant 1 : i32
      %add3A_207 = arith.addi %mul3A_205, %add3A_206 : i32
      %dma_wait3A_208 = arith.constant 0 : i32
      %dma_wait3A_209 = tpu.memref_slice %arg4[%mul3A_2, %dma_wait3A_208] : memref<819200x128xf32, #tpu.memory_space<hbm>> -> memref<128x128xf32, #tpu.memory_space<hbm>>
      %dma_wait3A_210 = arith.constant 0 : i32
      %dma_wait3A_211 = tpu.memref_slice %arg4[%mul3A_2, %dma_wait3A_210] : memref<819200x128xf32, #tpu.memory_space<hbm>> -> memref<128x128xf32, #tpu.memory_space<hbm>>
      tpu.wait_dma2 semaphore(%arg11 : memref<!tpu.dma_semaphore, #tpu.memory_space<semaphore_mem>>) src(%arg8 : memref<128x128xf32, #tpu.memory_space<vmem>>) dst(%dma_wait3A_211 : memref<128x128xf32, #tpu.memory_space<hbm>>)
      %mul3A_212 = arith.constant 128 : i32
      %mul3A_213 = arith.muli %add3A_207, %mul3A_212 : i32
      %dma_start3A_214 = tpu.memref_slice %arg6[%mul3A_213] : memref<12800xi32, #tpu.memory_space<vmem>> -> memref<128xi32, #tpu.memory_space<vmem>>
      %dma_start3A_215 = arith.constant 0 : i32
      %dma_start3A_216 = arith.constant 0 : i32
      %dma_start3A_217 = tpu.memref_slice %arg5[%dma_start3A_215, %dma_start3A_216] : memref<10112x128xf32, #tpu.memory_space<vmem_shared>> -> memref<10112x128xf32, #tpu.memory_space<vmem_shared>>
      tpu.enqueue_indirect_dma source(%dma_start3A_217 : memref<10112x128xf32, #tpu.memory_space<vmem_shared>>) target(%arg8 : memref<128x128xf32, #tpu.memory_space<vmem>>) offsets(%dma_start3A_214 : memref<128xi32, #tpu.memory_space<vmem>>) semaphore(%arg9 : memref<!tpu.dma_semaphore, #tpu.memory_space<semaphore_mem>>)
      %dma_wait3A_218 = tpu.memref_slice %arg6[%mul3A_213] : memref<12800xi32, #tpu.memory_space<vmem>> -> memref<128xi32, #tpu.memory_space<vmem>>
      %dma_wait3A_219 = arith.constant 0 : i32
      %dma_wait3A_220 = arith.constant 0 : i32
      %dma_wait3A_221 = tpu.memref_slice %arg5[%dma_wait3A_219, %dma_wait3A_220] : memref<10112x128xf32, #tpu.memory_space<vmem_shared>> -> memref<10112x128xf32, #tpu.memory_space<vmem_shared>>
      tpu.wait_indirect_dma semaphore(%arg9 : memref<!tpu.dma_semaphore, #tpu.memory_space<semaphore_mem>>) src(%dma_wait3A_221 : memref<10112x128xf32, #tpu.memory_space<vmem_shared>>) dst(%arg8 : memref<128x128xf32, #tpu.memory_space<vmem>>)
      %mul3A_222 = arith.constant 128 : i32
      %mul3A_223 = arith.muli %add3A_207, %mul3A_222 : i32
      %add3A_224 = arith.addi %add3A_6, %mul3A_223 : i32
      %dma_start3A_225 = arith.constant 0 : i32
      %dma_start3A_226 = tpu.memref_slice %arg4[%add3A_224, %dma_start3A_225] : memref<819200x128xf32, #tpu.memory_space<hbm>> -> memref<128x128xf32, #tpu.memory_space<hbm>>
      %dma_start3A_227 = arith.constant 0 : i32
      %dma_start3A_228 = tpu.memref_slice %arg4[%add3A_224, %dma_start3A_227] : memref<819200x128xf32, #tpu.memory_space<hbm>> -> memref<128x128xf32, #tpu.memory_space<hbm>>
      tpu.enqueue_dma source(%arg8 : memref<128x128xf32, #tpu.memory_space<vmem>>) target(%dma_start3A_228 : memref<128x128xf32, #tpu.memory_space<hbm>>) target_semaphore(%arg11 : memref<!tpu.dma_semaphore, #tpu.memory_space<semaphore_mem>>)
      %mul3A_229 = arith.constant 4 : i32
      %mul3A_230 = arith.muli %mul3A_229, %scan3A_178 : i32
      %add3A_231 = arith.constant 2 : i32
      %add3A_232 = arith.addi %mul3A_230, %add3A_231 : i32
      %dma_wait3A_233 = arith.constant 0 : i32
      %dma_wait3A_234 = tpu.memref_slice %arg4[%mul3A_2, %dma_wait3A_233] : memref<819200x128xf32, #tpu.memory_space<hbm>> -> memref<128x128xf32, #tpu.memory_space<hbm>>
      %dma_wait3A_235 = arith.constant 0 : i32
      %dma_wait3A_236 = tpu.memref_slice %arg4[%mul3A_2, %dma_wait3A_235] : memref<819200x128xf32, #tpu.memory_space<hbm>> -> memref<128x128xf32, #tpu.memory_space<hbm>>
      tpu.wait_dma2 semaphore(%arg10 : memref<!tpu.dma_semaphore, #tpu.memory_space<semaphore_mem>>) src(%arg7 : memref<128x128xf32, #tpu.memory_space<vmem>>) dst(%dma_wait3A_236 : memref<128x128xf32, #tpu.memory_space<hbm>>)
      %mul3A_237 = arith.constant 128 : i32
      %mul3A_238 = arith.muli %add3A_232, %mul3A_237 : i32
      %dma_start3A_239 = tpu.memref_slice %arg6[%mul3A_238] : memref<12800xi32, #tpu.memory_space<vmem>> -> memref<128xi32, #tpu.memory_space<vmem>>
      %dma_start3A_240 = arith.constant 0 : i32
      %dma_start3A_241 = arith.constant 0 : i32
      %dma_start3A_242 = tpu.memref_slice %arg5[%dma_start3A_240, %dma_start3A_241] : memref<10112x128xf32, #tpu.memory_space<vmem_shared>> -> memref<10112x128xf32, #tpu.memory_space<vmem_shared>>
      tpu.enqueue_indirect_dma source(%dma_start3A_242 : memref<10112x128xf32, #tpu.memory_space<vmem_shared>>) target(%arg7 : memref<128x128xf32, #tpu.memory_space<vmem>>) offsets(%dma_start3A_239 : memref<128xi32, #tpu.memory_space<vmem>>) semaphore(%arg9 : memref<!tpu.dma_semaphore, #tpu.memory_space<semaphore_mem>>)
      %dma_wait3A_243 = tpu.memref_slice %arg6[%mul3A_238] : memref<12800xi32, #tpu.memory_space<vmem>> -> memref<128xi32, #tpu.memory_space<vmem>>
      %dma_wait3A_244 = arith.constant 0 : i32
      %dma_wait3A_245 = arith.constant 0 : i32
      %dma_wait3A_246 = tpu.memref_slice %arg5[%dma_wait3A_244, %dma_wait3A_245] : memref<10112x128xf32, #tpu.memory_space<vmem_shared>> -> memref<10112x128xf32, #tpu.memory_space<vmem_shared>>
      tpu.wait_indirect_dma semaphore(%arg9 : memref<!tpu.dma_semaphore, #tpu.memory_space<semaphore_mem>>) src(%dma_wait3A_246 : memref<10112x128xf32, #tpu.memory_space<vmem_shared>>) dst(%arg7 : memref<128x128xf32, #tpu.memory_space<vmem>>)
      %mul3A_247 = arith.constant 128 : i32
      %mul3A_248 = arith.muli %add3A_232, %mul3A_247 : i32
      %add3A_249 = arith.addi %add3A_6, %mul3A_248 : i32
      %dma_start3A_250 = arith.constant 0 : i32
      %dma_start3A_251 = tpu.memref_slice %arg4[%add3A_249, %dma_start3A_250] : memref<819200x128xf32, #tpu.memory_space<hbm>> -> memref<128x128xf32, #tpu.memory_space<hbm>>
      %dma_start3A_252 = arith.constant 0 : i32
      %dma_start3A_253 = tpu.memref_slice %arg4[%add3A_249, %dma_start3A_252] : memref<819200x128xf32, #tpu.memory_space<hbm>> -> memref<128x128xf32, #tpu.memory_space<hbm>>
      tpu.enqueue_dma source(%arg7 : memref<128x128xf32, #tpu.memory_space<vmem>>) target(%dma_start3A_253 : memref<128x128xf32, #tpu.memory_space<hbm>>) target_semaphore(%arg10 : memref<!tpu.dma_semaphore, #tpu.memory_space<semaphore_mem>>)
      %mul3A_254 = arith.constant 4 : i32
      %mul3A_255 = arith.muli %mul3A_254, %scan3A_178 : i32
      %add3A_256 = arith.constant 3 : i32
      %add3A_257 = arith.addi %mul3A_255, %add3A_256 : i32
      %dma_wait3A_258 = arith.constant 0 : i32
      %dma_wait3A_259 = tpu.memref_slice %arg4[%mul3A_2, %dma_wait3A_258] : memref<819200x128xf32, #tpu.memory_space<hbm>> -> memref<128x128xf32, #tpu.memory_space<hbm>>
      %dma_wait3A_260 = arith.constant 0 : i32
      %dma_wait3A_261 = tpu.memref_slice %arg4[%mul3A_2, %dma_wait3A_260] : memref<819200x128xf32, #tpu.memory_space<hbm>> -> memref<128x128xf32, #tpu.memory_space<hbm>>
      tpu.wait_dma2 semaphore(%arg11 : memref<!tpu.dma_semaphore, #tpu.memory_space<semaphore_mem>>) src(%arg8 : memref<128x128xf32, #tpu.memory_space<vmem>>) dst(%dma_wait3A_261 : memref<128x128xf32, #tpu.memory_space<hbm>>)
      %mul3A_262 = arith.constant 128 : i32
      %mul3A_263 = arith.muli %add3A_257, %mul3A_262 : i32
      %dma_start3A_264 = tpu.memref_slice %arg6[%mul3A_263] : memref<12800xi32, #tpu.memory_space<vmem>> -> memref<128xi32, #tpu.memory_space<vmem>>
      %dma_start3A_265 = arith.constant 0 : i32
      %dma_start3A_266 = arith.constant 0 : i32
      %dma_start3A_267 = tpu.memref_slice %arg5[%dma_start3A_265, %dma_start3A_266] : memref<10112x128xf32, #tpu.memory_space<vmem_shared>> -> memref<10112x128xf32, #tpu.memory_space<vmem_shared>>
      tpu.enqueue_indirect_dma source(%dma_start3A_267 : memref<10112x128xf32, #tpu.memory_space<vmem_shared>>) target(%arg8 : memref<128x128xf32, #tpu.memory_space<vmem>>) offsets(%dma_start3A_264 : memref<128xi32, #tpu.memory_space<vmem>>) semaphore(%arg9 : memref<!tpu.dma_semaphore, #tpu.memory_space<semaphore_mem>>)
      %dma_wait3A_268 = tpu.memref_slice %arg6[%mul3A_263] : memref<12800xi32, #tpu.memory_space<vmem>> -> memref<128xi32, #tpu.memory_space<vmem>>
      %dma_wait3A_269 = arith.constant 0 : i32
      %dma_wait3A_270 = arith.constant 0 : i32
      %dma_wait3A_271 = tpu.memref_slice %arg5[%dma_wait3A_269, %dma_wait3A_270] : memref<10112x128xf32, #tpu.memory_space<vmem_shared>> -> memref<10112x128xf32, #tpu.memory_space<vmem_shared>>
      tpu.wait_indirect_dma semaphore(%arg9 : memref<!tpu.dma_semaphore, #tpu.memory_space<semaphore_mem>>) src(%dma_wait3A_271 : memref<10112x128xf32, #tpu.memory_space<vmem_shared>>) dst(%arg8 : memref<128x128xf32, #tpu.memory_space<vmem>>)
      %mul3A_272 = arith.constant 128 : i32
      %mul3A_273 = arith.muli %add3A_257, %mul3A_272 : i32
      %add3A_274 = arith.addi %add3A_6, %mul3A_273 : i32
      %dma_start3A_275 = arith.constant 0 : i32
      %dma_start3A_276 = tpu.memref_slice %arg4[%add3A_274, %dma_start3A_275] : memref<819200x128xf32, #tpu.memory_space<hbm>> -> memref<128x128xf32, #tpu.memory_space<hbm>>
      %dma_start3A_277 = arith.constant 0 : i32
      %dma_start3A_278 = tpu.memref_slice %arg4[%add3A_274, %dma_start3A_277] : memref<819200x128xf32, #tpu.memory_space<hbm>> -> memref<128x128xf32, #tpu.memory_space<hbm>>
      tpu.enqueue_dma source(%arg8 : memref<128x128xf32, #tpu.memory_space<vmem>>) target(%dma_start3A_278 : memref<128x128xf32, #tpu.memory_space<hbm>>) target_semaphore(%arg11 : memref<!tpu.dma_semaphore, #tpu.memory_space<semaphore_mem>>)
    }
    %scan3A_81 = arith.constant 24 : i32
    %dma_wait3A_82 = arith.constant 0 : i32
    %dma_wait3A_83 = tpu.memref_slice %arg4[%mul3A_2, %dma_wait3A_82] : memref<819200x128xf32, #tpu.memory_space<hbm>> -> memref<128x128xf32, #tpu.memory_space<hbm>>
    %dma_wait3A_84 = arith.constant 0 : i32
    %dma_wait3A_85 = tpu.memref_slice %arg4[%mul3A_2, %dma_wait3A_84] : memref<819200x128xf32, #tpu.memory_space<hbm>> -> memref<128x128xf32, #tpu.memory_space<hbm>>
    tpu.wait_dma2 semaphore(%arg10 : memref<!tpu.dma_semaphore, #tpu.memory_space<semaphore_mem>>) src(%arg7 : memref<128x128xf32, #tpu.memory_space<vmem>>) dst(%dma_wait3A_85 : memref<128x128xf32, #tpu.memory_space<hbm>>)
    %dma_wait3A_86 = arith.constant 0 : i32
    %dma_wait3A_87 = tpu.memref_slice %arg4[%mul3A_2, %dma_wait3A_86] : memref<819200x128xf32, #tpu.memory_space<hbm>> -> memref<128x128xf32, #tpu.memory_space<hbm>>
    %dma_wait3A_88 = arith.constant 0 : i32
    %dma_wait3A_89 = tpu.memref_slice %arg4[%mul3A_2, %dma_wait3A_88] : memref<819200x128xf32, #tpu.memory_space<hbm>> -> memref<128x128xf32, #tpu.memory_space<hbm>>
    tpu.wait_dma2 semaphore(%arg11 : memref<!tpu.dma_semaphore, #tpu.memory_space<semaphore_mem>>) src(%arg8 : memref<128x128xf32, #tpu.memory_space<vmem>>) dst(%dma_wait3A_89 : memref<128x128xf32, #tpu.memory_space<hbm>>)
    %add3A_90 = arith.constant 12800 : i32
    %add3A_91 = arith.addi %mul3A_2, %add3A_90 : i32
    "tpu.region"() ({
      %run_scoped3A = tpu.sem_alloc : memref<!tpu.dma_semaphore, #tpu.memory_space<semaphore_mem>>
      %dma_start3A_178 = tpu.memref_slice %arg3[%add3A_91] : memref<819200xi32, #tpu.memory_space<hbm>> -> memref<12800xi32, #tpu.memory_space<hbm>>
      %dma_start3A_179 = tpu.memref_slice %arg3[%add3A_91] : memref<819200xi32, #tpu.memory_space<hbm>> -> memref<12800xi32, #tpu.memory_space<hbm>>
      tpu.enqueue_dma source(%dma_start3A_179 : memref<12800xi32, #tpu.memory_space<hbm>>) target(%arg6 : memref<12800xi32, #tpu.memory_space<vmem>>) target_semaphore(%run_scoped3A : memref<!tpu.dma_semaphore, #tpu.memory_space<semaphore_mem>>)
      %dma_wait3A_180 = tpu.memref_slice %arg3[%add3A_91] : memref<819200xi32, #tpu.memory_space<hbm>> -> memref<12800xi32, #tpu.memory_space<hbm>>
      %dma_wait3A_181 = tpu.memref_slice %arg3[%add3A_91] : memref<819200xi32, #tpu.memory_space<hbm>> -> memref<12800xi32, #tpu.memory_space<hbm>>
      tpu.wait_dma2 semaphore(%run_scoped3A : memref<!tpu.dma_semaphore, #tpu.memory_space<semaphore_mem>>) src(%dma_wait3A_181 : memref<12800xi32, #tpu.memory_space<hbm>>) dst(%arg6 : memref<12800xi32, #tpu.memory_space<vmem>>)
      tpu.yield
    }) : () -> ()
    %dma_start3A_92 = arith.constant 0 : i32
    %dma_start3A_93 = tpu.memref_slice %arg6[%dma_start3A_92] : memref<12800xi32, #tpu.memory_space<vmem>> -> memref<128xi32, #tpu.memory_space<vmem>>
    %dma_start3A_94 = arith.constant 0 : i32
    %dma_start3A_95 = arith.constant 0 : i32
    %dma_start3A_96 = tpu.memref_slice %arg5[%dma_start3A_94, %dma_start3A_95] : memref<10112x128xf32, #tpu.memory_space<vmem_shared>> -> memref<10112x128xf32, #tpu.memory_space<vmem_shared>>
    tpu.enqueue_indirect_dma source(%dma_start3A_96 : memref<10112x128xf32, #tpu.memory_space<vmem_shared>>) target(%arg7 : memref<128x128xf32, #tpu.memory_space<vmem>>) offsets(%dma_start3A_93 : memref<128xi32, #tpu.memory_space<vmem>>) semaphore(%arg9 : memref<!tpu.dma_semaphore, #tpu.memory_space<semaphore_mem>>)
    %dma_wait3A_97 = arith.constant 0 : i32
    %dma_wait3A_98 = tpu.memref_slice %arg6[%dma_wait3A_97] : memref<12800xi32, #tpu.memory_space<vmem>> -> memref<128xi32, #tpu.memory_space<vmem>>
    %dma_wait3A_99 = arith.constant 0 : i32
    %dma_wait3A_100 = arith.constant 0 : i32
    %dma_wait3A_101 = tpu.memref_slice %arg5[%dma_wait3A_99, %dma_wait3A_100] : memref<10112x128xf32, #tpu.memory_space<vmem_shared>> -> memref<10112x128xf32, #tpu.memory_space<vmem_shared>>
    tpu.wait_indirect_dma semaphore(%arg9 : memref<!tpu.dma_semaphore, #tpu.memory_space<semaphore_mem>>) src(%dma_wait3A_101 : memref<10112x128xf32, #tpu.memory_space<vmem_shared>>) dst(%arg7 : memref<128x128xf32, #tpu.memory_space<vmem>>)
    %add3A_102 = arith.constant 0 : i32
    %add3A_103 = arith.addi %add3A_91, %add3A_102 : i32
    %dma_start3A_104 = arith.constant 0 : i32
    %dma_start3A_105 = tpu.memref_slice %arg4[%add3A_103, %dma_start3A_104] : memref<819200x128xf32, #tpu.memory_space<hbm>> -> memref<128x128xf32, #tpu.memory_space<hbm>>
    %dma_start3A_106 = arith.constant 0 : i32
    %dma_start3A_107 = tpu.memref_slice %arg4[%add3A_103, %dma_start3A_106] : memref<819200x128xf32, #tpu.memory_space<hbm>> -> memref<128x128xf32, #tpu.memory_space<hbm>>
    tpu.enqueue_dma source(%arg7 : memref<128x128xf32, #tpu.memory_space<vmem>>) target(%dma_start3A_107 : memref<128x128xf32, #tpu.memory_space<hbm>>) target_semaphore(%arg10 : memref<!tpu.dma_semaphore, #tpu.memory_space<semaphore_mem>>)
    %dma_start3A_108 = arith.constant 128 : i32
    %dma_start3A_109 = tpu.memref_slice %arg6[%dma_start3A_108] : memref<12800xi32, #tpu.memory_space<vmem>> -> memref<128xi32, #tpu.memory_space<vmem>>
    %dma_start3A_110 = arith.constant 0 : i32
    %dma_start3A_111 = arith.constant 0 : i32
    %dma_start3A_112 = tpu.memref_slice %arg5[%dma_start3A_110, %dma_start3A_111] : memref<10112x128xf32, #tpu.memory_space<vmem_shared>> -> memref<10112x128xf32, #tpu.memory_space<vmem_shared>>
    tpu.enqueue_indirect_dma source(%dma_start3A_112 : memref<10112x128xf32, #tpu.memory_space<vmem_shared>>) target(%arg8 : memref<128x128xf32, #tpu.memory_space<vmem>>) offsets(%dma_start3A_109 : memref<128xi32, #tpu.memory_space<vmem>>) semaphore(%arg9 : memref<!tpu.dma_semaphore, #tpu.memory_space<semaphore_mem>>)
    %dma_wait3A_113 = arith.constant 128 : i32
    %dma_wait3A_114 = tpu.memref_slice %arg6[%dma_wait3A_113] : memref<12800xi32, #tpu.memory_space<vmem>> -> memref<128xi32, #tpu.memory_space<vmem>>
    %dma_wait3A_115 = arith.constant 0 : i32
    %dma_wait3A_116 = arith.constant 0 : i32
    %dma_wait3A_117 = tpu.memref_slice %arg5[%dma_wait3A_115, %dma_wait3A_116] : memref<10112x128xf32, #tpu.memory_space<vmem_shared>> -> memref<10112x128xf32, #tpu.memory_space<vmem_shared>>
    tpu.wait_indirect_dma semaphore(%arg9 : memref<!tpu.dma_semaphore, #tpu.memory_space<semaphore_mem>>) src(%dma_wait3A_117 : memref<10112x128xf32, #tpu.memory_space<vmem_shared>>) dst(%arg8 : memref<128x128xf32, #tpu.memory_space<vmem>>)
    %add3A_118 = arith.constant 128 : i32
    %add3A_119 = arith.addi %add3A_91, %add3A_118 : i32
    %dma_start3A_120 = arith.constant 0 : i32
    %dma_start3A_121 = tpu.memref_slice %arg4[%add3A_119, %dma_start3A_120] : memref<819200x128xf32, #tpu.memory_space<hbm>> -> memref<128x128xf32, #tpu.memory_space<hbm>>
    %dma_start3A_122 = arith.constant 0 : i32
    %dma_start3A_123 = tpu.memref_slice %arg4[%add3A_119, %dma_start3A_122] : memref<819200x128xf32, #tpu.memory_space<hbm>> -> memref<128x128xf32, #tpu.memory_space<hbm>>
    tpu.enqueue_dma source(%arg8 : memref<128x128xf32, #tpu.memory_space<vmem>>) target(%dma_start3A_123 : memref<128x128xf32, #tpu.memory_space<hbm>>) target_semaphore(%arg11 : memref<!tpu.dma_semaphore, #tpu.memory_space<semaphore_mem>>)
    %dma_start3A_124 = arith.constant 256 : i32
    %dma_start3A_125 = tpu.memref_slice %arg6[%dma_start3A_124] : memref<12800xi32, #tpu.memory_space<vmem>> -> memref<128xi32, #tpu.memory_space<vmem>>
    %dma_start3A_126 = arith.constant 0 : i32
    %dma_start3A_127 = arith.constant 0 : i32
    %dma_start3A_128 = tpu.memref_slice %arg5[%dma_start3A_126, %dma_start3A_127] : memref<10112x128xf32, #tpu.memory_space<vmem_shared>> -> memref<10112x128xf32, #tpu.memory_space<vmem_shared>>
    tpu.enqueue_indirect_dma source(%dma_start3A_128 : memref<10112x128xf32, #tpu.memory_space<vmem_shared>>) target(%arg7 : memref<128x128xf32, #tpu.memory_space<vmem>>) offsets(%dma_start3A_125 : memref<128xi32, #tpu.memory_space<vmem>>) semaphore(%arg9 : memref<!tpu.dma_semaphore, #tpu.memory_space<semaphore_mem>>)
    %dma_wait3A_129 = arith.constant 256 : i32
    %dma_wait3A_130 = tpu.memref_slice %arg6[%dma_wait3A_129] : memref<12800xi32, #tpu.memory_space<vmem>> -> memref<128xi32, #tpu.memory_space<vmem>>
    %dma_wait3A_131 = arith.constant 0 : i32
    %dma_wait3A_132 = arith.constant 0 : i32
    %dma_wait3A_133 = tpu.memref_slice %arg5[%dma_wait3A_131, %dma_wait3A_132] : memref<10112x128xf32, #tpu.memory_space<vmem_shared>> -> memref<10112x128xf32, #tpu.memory_space<vmem_shared>>
    tpu.wait_indirect_dma semaphore(%arg9 : memref<!tpu.dma_semaphore, #tpu.memory_space<semaphore_mem>>) src(%dma_wait3A_133 : memref<10112x128xf32, #tpu.memory_space<vmem_shared>>) dst(%arg7 : memref<128x128xf32, #tpu.memory_space<vmem>>)
    %dma_wait3A_134 = arith.constant 0 : i32
    %dma_wait3A_135 = tpu.memref_slice %arg4[%mul3A_2, %dma_wait3A_134] : memref<819200x128xf32, #tpu.memory_space<hbm>> -> memref<128x128xf32, #tpu.memory_space<hbm>>
    %dma_wait3A_136 = arith.constant 0 : i32
    %dma_wait3A_137 = tpu.memref_slice %arg4[%mul3A_2, %dma_wait3A_136] : memref<819200x128xf32, #tpu.memory_space<hbm>> -> memref<128x128xf32, #tpu.memory_space<hbm>>
    tpu.wait_dma2 semaphore(%arg10 : memref<!tpu.dma_semaphore, #tpu.memory_space<semaphore_mem>>) src(%arg7 : memref<128x128xf32, #tpu.memory_space<vmem>>) dst(%dma_wait3A_137 : memref<128x128xf32, #tpu.memory_space<hbm>>)
    %add3A_138 = arith.constant 256 : i32
    %add3A_139 = arith.addi %add3A_91, %add3A_138 : i32
    %dma_start3A_140 = arith.constant 0 : i32
    %dma_start3A_141 = tpu.memref_slice %arg4[%add3A_139, %dma_start3A_140] : memref<819200x128xf32, #tpu.memory_space<hbm>> -> memref<128x128xf32, #tpu.memory_space<hbm>>
    %dma_start3A_142 = arith.constant 0 : i32
    %dma_start3A_143 = tpu.memref_slice %arg4[%add3A_139, %dma_start3A_142] : memref<819200x128xf32, #tpu.memory_space<hbm>> -> memref<128x128xf32, #tpu.memory_space<hbm>>
    tpu.enqueue_dma source(%arg7 : memref<128x128xf32, #tpu.memory_space<vmem>>) target(%dma_start3A_143 : memref<128x128xf32, #tpu.memory_space<hbm>>) target_semaphore(%arg10 : memref<!tpu.dma_semaphore, #tpu.memory_space<semaphore_mem>>)
    %dma_start3A_144 = arith.constant 384 : i32
    %dma_start3A_145 = tpu.memref_slice %arg6[%dma_start3A_144] : memref<12800xi32, #tpu.memory_space<vmem>> -> memref<128xi32, #tpu.memory_space<vmem>>
    %dma_start3A_146 = arith.constant 0 : i32
    %dma_start3A_147 = arith.constant 0 : i32
    %dma_start3A_148 = tpu.memref_slice %arg5[%dma_start3A_146, %dma_start3A_147] : memref<10112x128xf32, #tpu.memory_space<vmem_shared>> -> memref<10112x128xf32, #tpu.memory_space<vmem_shared>>
    tpu.enqueue_indirect_dma source(%dma_start3A_148 : memref<10112x128xf32, #tpu.memory_space<vmem_shared>>) target(%arg8 : memref<128x128xf32, #tpu.memory_space<vmem>>) offsets(%dma_start3A_145 : memref<128xi32, #tpu.memory_space<vmem>>) semaphore(%arg9 : memref<!tpu.dma_semaphore, #tpu.memory_space<semaphore_mem>>)
    %dma_wait3A_149 = arith.constant 384 : i32
    %dma_wait3A_150 = tpu.memref_slice %arg6[%dma_wait3A_149] : memref<12800xi32, #tpu.memory_space<vmem>> -> memref<128xi32, #tpu.memory_space<vmem>>
    %dma_wait3A_151 = arith.constant 0 : i32
    %dma_wait3A_152 = arith.constant 0 : i32
    %dma_wait3A_153 = tpu.memref_slice %arg5[%dma_wait3A_151, %dma_wait3A_152] : memref<10112x128xf32, #tpu.memory_space<vmem_shared>> -> memref<10112x128xf32, #tpu.memory_space<vmem_shared>>
    tpu.wait_indirect_dma semaphore(%arg9 : memref<!tpu.dma_semaphore, #tpu.memory_space<semaphore_mem>>) src(%dma_wait3A_153 : memref<10112x128xf32, #tpu.memory_space<vmem_shared>>) dst(%arg8 : memref<128x128xf32, #tpu.memory_space<vmem>>)
    %dma_wait3A_154 = arith.constant 0 : i32
    %dma_wait3A_155 = tpu.memref_slice %arg4[%mul3A_2, %dma_wait3A_154] : memref<819200x128xf32, #tpu.memory_space<hbm>> -> memref<128x128xf32, #tpu.memory_space<hbm>>
    %dma_wait3A_156 = arith.constant 0 : i32
    %dma_wait3A_157 = tpu.memref_slice %arg4[%mul3A_2, %dma_wait3A_156] : memref<819200x128xf32, #tpu.memory_space<hbm>> -> memref<128x128xf32, #tpu.memory_space<hbm>>
    tpu.wait_dma2 semaphore(%arg11 : memref<!tpu.dma_semaphore, #tpu.memory_space<semaphore_mem>>) src(%arg8 : memref<128x128xf32, #tpu.memory_space<vmem>>) dst(%dma_wait3A_157 : memref<128x128xf32, #tpu.memory_space<hbm>>)
    %add3A_158 = arith.constant 384 : i32
    %add3A_159 = arith.addi %add3A_91, %add3A_158 : i32
    %dma_start3A_160 = arith.constant 0 : i32
    %dma_start3A_161 = tpu.memref_slice %arg4[%add3A_159, %dma_start3A_160] : memref<819200x128xf32, #tpu.memory_space<hbm>> -> memref<128x128xf32, #tpu.memory_space<hbm>>
    %dma_start3A_162 = arith.constant 0 : i32
    %dma_start3A_163 = tpu.memref_slice %arg4[%add3A_159, %dma_start3A_162] : memref<819200x128xf32, #tpu.memory_space<hbm>> -> memref<128x128xf32, #tpu.memory_space<hbm>>
    tpu.enqueue_dma source(%arg8 : memref<128x128xf32, #tpu.memory_space<vmem>>) target(%dma_start3A_163 : memref<128x128xf32, #tpu.memory_space<hbm>>) target_semaphore(%arg11 : memref<!tpu.dma_semaphore, #tpu.memory_space<semaphore_mem>>)
    %scan3A_164 = arith.constant 0 : i32
    %scan3A_165 = arith.constant 1 : i32
    %scan3A_166 = arith.constant 24 : i32
    %scan3A_167 = arith.addi %scan3A_165, %scan3A_166 : i32
    %scan3A_168 = arith.constant 1 : i32
    scf.for %scan3A_178 = %scan3A_165 to %scan3A_167 step %scan3A_168  : i32 {
      %mul3A_179 = arith.constant 4 : i32
      %mul3A_180 = arith.muli %mul3A_179, %scan3A_178 : i32
      %add3A_181 = arith.constant 0 : i32
      %add3A_182 = arith.addi %mul3A_180, %add3A_181 : i32
      %dma_wait3A_183 = arith.constant 0 : i32
      %dma_wait3A_184 = tpu.memref_slice %arg4[%mul3A_2, %dma_wait3A_183] : memref<819200x128xf32, #tpu.memory_space<hbm>> -> memref<128x128xf32, #tpu.memory_space<hbm>>
      %dma_wait3A_185 = arith.constant 0 : i32
      %dma_wait3A_186 = tpu.memref_slice %arg4[%mul3A_2, %dma_wait3A_185] : memref<819200x128xf32, #tpu.memory_space<hbm>> -> memref<128x128xf32, #tpu.memory_space<hbm>>
      tpu.wait_dma2 semaphore(%arg10 : memref<!tpu.dma_semaphore, #tpu.memory_space<semaphore_mem>>) src(%arg7 : memref<128x128xf32, #tpu.memory_space<vmem>>) dst(%dma_wait3A_186 : memref<128x128xf32, #tpu.memory_space<hbm>>)
      %mul3A_187 = arith.constant 128 : i32
      %mul3A_188 = arith.muli %add3A_182, %mul3A_187 : i32
      %dma_start3A_189 = tpu.memref_slice %arg6[%mul3A_188] : memref<12800xi32, #tpu.memory_space<vmem>> -> memref<128xi32, #tpu.memory_space<vmem>>
      %dma_start3A_190 = arith.constant 0 : i32
      %dma_start3A_191 = arith.constant 0 : i32
      %dma_start3A_192 = tpu.memref_slice %arg5[%dma_start3A_190, %dma_start3A_191] : memref<10112x128xf32, #tpu.memory_space<vmem_shared>> -> memref<10112x128xf32, #tpu.memory_space<vmem_shared>>
      tpu.enqueue_indirect_dma source(%dma_start3A_192 : memref<10112x128xf32, #tpu.memory_space<vmem_shared>>) target(%arg7 : memref<128x128xf32, #tpu.memory_space<vmem>>) offsets(%dma_start3A_189 : memref<128xi32, #tpu.memory_space<vmem>>) semaphore(%arg9 : memref<!tpu.dma_semaphore, #tpu.memory_space<semaphore_mem>>)
      %dma_wait3A_193 = tpu.memref_slice %arg6[%mul3A_188] : memref<12800xi32, #tpu.memory_space<vmem>> -> memref<128xi32, #tpu.memory_space<vmem>>
      %dma_wait3A_194 = arith.constant 0 : i32
      %dma_wait3A_195 = arith.constant 0 : i32
      %dma_wait3A_196 = tpu.memref_slice %arg5[%dma_wait3A_194, %dma_wait3A_195] : memref<10112x128xf32, #tpu.memory_space<vmem_shared>> -> memref<10112x128xf32, #tpu.memory_space<vmem_shared>>
      tpu.wait_indirect_dma semaphore(%arg9 : memref<!tpu.dma_semaphore, #tpu.memory_space<semaphore_mem>>) src(%dma_wait3A_196 : memref<10112x128xf32, #tpu.memory_space<vmem_shared>>) dst(%arg7 : memref<128x128xf32, #tpu.memory_space<vmem>>)
      %mul3A_197 = arith.constant 128 : i32
      %mul3A_198 = arith.muli %add3A_182, %mul3A_197 : i32
      %add3A_199 = arith.addi %add3A_91, %mul3A_198 : i32
      %dma_start3A_200 = arith.constant 0 : i32
      %dma_start3A_201 = tpu.memref_slice %arg4[%add3A_199, %dma_start3A_200] : memref<819200x128xf32, #tpu.memory_space<hbm>> -> memref<128x128xf32, #tpu.memory_space<hbm>>
      %dma_start3A_202 = arith.constant 0 : i32
      %dma_start3A_203 = tpu.memref_slice %arg4[%add3A_199, %dma_start3A_202] : memref<819200x128xf32, #tpu.memory_space<hbm>> -> memref<128x128xf32, #tpu.memory_space<hbm>>
      tpu.enqueue_dma source(%arg7 : memref<128x128xf32, #tpu.memory_space<vmem>>) target(%dma_start3A_203 : memref<128x128xf32, #tpu.memory_space<hbm>>) target_semaphore(%arg10 : memref<!tpu.dma_semaphore, #tpu.memory_space<semaphore_mem>>)
      %mul3A_204 = arith.constant 4 : i32
      %mul3A_205 = arith.muli %mul3A_204, %scan3A_178 : i32
      %add3A_206 = arith.constant 1 : i32
      %add3A_207 = arith.addi %mul3A_205, %add3A_206 : i32
      %dma_wait3A_208 = arith.constant 0 : i32
      %dma_wait3A_209 = tpu.memref_slice %arg4[%mul3A_2, %dma_wait3A_208] : memref<819200x128xf32, #tpu.memory_space<hbm>> -> memref<128x128xf32, #tpu.memory_space<hbm>>
      %dma_wait3A_210 = arith.constant 0 : i32
      %dma_wait3A_211 = tpu.memref_slice %arg4[%mul3A_2, %dma_wait3A_210] : memref<819200x128xf32, #tpu.memory_space<hbm>> -> memref<128x128xf32, #tpu.memory_space<hbm>>
      tpu.wait_dma2 semaphore(%arg11 : memref<!tpu.dma_semaphore, #tpu.memory_space<semaphore_mem>>) src(%arg8 : memref<128x128xf32, #tpu.memory_space<vmem>>) dst(%dma_wait3A_211 : memref<128x128xf32, #tpu.memory_space<hbm>>)
      %mul3A_212 = arith.constant 128 : i32
      %mul3A_213 = arith.muli %add3A_207, %mul3A_212 : i32
      %dma_start3A_214 = tpu.memref_slice %arg6[%mul3A_213] : memref<12800xi32, #tpu.memory_space<vmem>> -> memref<128xi32, #tpu.memory_space<vmem>>
      %dma_start3A_215 = arith.constant 0 : i32
      %dma_start3A_216 = arith.constant 0 : i32
      %dma_start3A_217 = tpu.memref_slice %arg5[%dma_start3A_215, %dma_start3A_216] : memref<10112x128xf32, #tpu.memory_space<vmem_shared>> -> memref<10112x128xf32, #tpu.memory_space<vmem_shared>>
      tpu.enqueue_indirect_dma source(%dma_start3A_217 : memref<10112x128xf32, #tpu.memory_space<vmem_shared>>) target(%arg8 : memref<128x128xf32, #tpu.memory_space<vmem>>) offsets(%dma_start3A_214 : memref<128xi32, #tpu.memory_space<vmem>>) semaphore(%arg9 : memref<!tpu.dma_semaphore, #tpu.memory_space<semaphore_mem>>)
      %dma_wait3A_218 = tpu.memref_slice %arg6[%mul3A_213] : memref<12800xi32, #tpu.memory_space<vmem>> -> memref<128xi32, #tpu.memory_space<vmem>>
      %dma_wait3A_219 = arith.constant 0 : i32
      %dma_wait3A_220 = arith.constant 0 : i32
      %dma_wait3A_221 = tpu.memref_slice %arg5[%dma_wait3A_219, %dma_wait3A_220] : memref<10112x128xf32, #tpu.memory_space<vmem_shared>> -> memref<10112x128xf32, #tpu.memory_space<vmem_shared>>
      tpu.wait_indirect_dma semaphore(%arg9 : memref<!tpu.dma_semaphore, #tpu.memory_space<semaphore_mem>>) src(%dma_wait3A_221 : memref<10112x128xf32, #tpu.memory_space<vmem_shared>>) dst(%arg8 : memref<128x128xf32, #tpu.memory_space<vmem>>)
      %mul3A_222 = arith.constant 128 : i32
      %mul3A_223 = arith.muli %add3A_207, %mul3A_222 : i32
      %add3A_224 = arith.addi %add3A_91, %mul3A_223 : i32
      %dma_start3A_225 = arith.constant 0 : i32
      %dma_start3A_226 = tpu.memref_slice %arg4[%add3A_224, %dma_start3A_225] : memref<819200x128xf32, #tpu.memory_space<hbm>> -> memref<128x128xf32, #tpu.memory_space<hbm>>
      %dma_start3A_227 = arith.constant 0 : i32
      %dma_start3A_228 = tpu.memref_slice %arg4[%add3A_224, %dma_start3A_227] : memref<819200x128xf32, #tpu.memory_space<hbm>> -> memref<128x128xf32, #tpu.memory_space<hbm>>
      tpu.enqueue_dma source(%arg8 : memref<128x128xf32, #tpu.memory_space<vmem>>) target(%dma_start3A_228 : memref<128x128xf32, #tpu.memory_space<hbm>>) target_semaphore(%arg11 : memref<!tpu.dma_semaphore, #tpu.memory_space<semaphore_mem>>)
      %mul3A_229 = arith.constant 4 : i32
      %mul3A_230 = arith.muli %mul3A_229, %scan3A_178 : i32
      %add3A_231 = arith.constant 2 : i32
      %add3A_232 = arith.addi %mul3A_230, %add3A_231 : i32
      %dma_wait3A_233 = arith.constant 0 : i32
      %dma_wait3A_234 = tpu.memref_slice %arg4[%mul3A_2, %dma_wait3A_233] : memref<819200x128xf32, #tpu.memory_space<hbm>> -> memref<128x128xf32, #tpu.memory_space<hbm>>
      %dma_wait3A_235 = arith.constant 0 : i32
      %dma_wait3A_236 = tpu.memref_slice %arg4[%mul3A_2, %dma_wait3A_235] : memref<819200x128xf32, #tpu.memory_space<hbm>> -> memref<128x128xf32, #tpu.memory_space<hbm>>
      tpu.wait_dma2 semaphore(%arg10 : memref<!tpu.dma_semaphore, #tpu.memory_space<semaphore_mem>>) src(%arg7 : memref<128x128xf32, #tpu.memory_space<vmem>>) dst(%dma_wait3A_236 : memref<128x128xf32, #tpu.memory_space<hbm>>)
      %mul3A_237 = arith.constant 128 : i32
      %mul3A_238 = arith.muli %add3A_232, %mul3A_237 : i32
      %dma_start3A_239 = tpu.memref_slice %arg6[%mul3A_238] : memref<12800xi32, #tpu.memory_space<vmem>> -> memref<128xi32, #tpu.memory_space<vmem>>
      %dma_start3A_240 = arith.constant 0 : i32
      %dma_start3A_241 = arith.constant 0 : i32
      %dma_start3A_242 = tpu.memref_slice %arg5[%dma_start3A_240, %dma_start3A_241] : memref<10112x128xf32, #tpu.memory_space<vmem_shared>> -> memref<10112x128xf32, #tpu.memory_space<vmem_shared>>
      tpu.enqueue_indirect_dma source(%dma_start3A_242 : memref<10112x128xf32, #tpu.memory_space<vmem_shared>>) target(%arg7 : memref<128x128xf32, #tpu.memory_space<vmem>>) offsets(%dma_start3A_239 : memref<128xi32, #tpu.memory_space<vmem>>) semaphore(%arg9 : memref<!tpu.dma_semaphore, #tpu.memory_space<semaphore_mem>>)
      %dma_wait3A_243 = tpu.memref_slice %arg6[%mul3A_238] : memref<12800xi32, #tpu.memory_space<vmem>> -> memref<128xi32, #tpu.memory_space<vmem>>
      %dma_wait3A_244 = arith.constant 0 : i32
      %dma_wait3A_245 = arith.constant 0 : i32
      %dma_wait3A_246 = tpu.memref_slice %arg5[%dma_wait3A_244, %dma_wait3A_245] : memref<10112x128xf32, #tpu.memory_space<vmem_shared>> -> memref<10112x128xf32, #tpu.memory_space<vmem_shared>>
      tpu.wait_indirect_dma semaphore(%arg9 : memref<!tpu.dma_semaphore, #tpu.memory_space<semaphore_mem>>) src(%dma_wait3A_246 : memref<10112x128xf32, #tpu.memory_space<vmem_shared>>) dst(%arg7 : memref<128x128xf32, #tpu.memory_space<vmem>>)
      %mul3A_247 = arith.constant 128 : i32
      %mul3A_248 = arith.muli %add3A_232, %mul3A_247 : i32
      %add3A_249 = arith.addi %add3A_91, %mul3A_248 : i32
      %dma_start3A_250 = arith.constant 0 : i32
      %dma_start3A_251 = tpu.memref_slice %arg4[%add3A_249, %dma_start3A_250] : memref<819200x128xf32, #tpu.memory_space<hbm>> -> memref<128x128xf32, #tpu.memory_space<hbm>>
      %dma_start3A_252 = arith.constant 0 : i32
      %dma_start3A_253 = tpu.memref_slice %arg4[%add3A_249, %dma_start3A_252] : memref<819200x128xf32, #tpu.memory_space<hbm>> -> memref<128x128xf32, #tpu.memory_space<hbm>>
      tpu.enqueue_dma source(%arg7 : memref<128x128xf32, #tpu.memory_space<vmem>>) target(%dma_start3A_253 : memref<128x128xf32, #tpu.memory_space<hbm>>) target_semaphore(%arg10 : memref<!tpu.dma_semaphore, #tpu.memory_space<semaphore_mem>>)
      %mul3A_254 = arith.constant 4 : i32
      %mul3A_255 = arith.muli %mul3A_254, %scan3A_178 : i32
      %add3A_256 = arith.constant 3 : i32
      %add3A_257 = arith.addi %mul3A_255, %add3A_256 : i32
      %dma_wait3A_258 = arith.constant 0 : i32
      %dma_wait3A_259 = tpu.memref_slice %arg4[%mul3A_2, %dma_wait3A_258] : memref<819200x128xf32, #tpu.memory_space<hbm>> -> memref<128x128xf32, #tpu.memory_space<hbm>>
      %dma_wait3A_260 = arith.constant 0 : i32
      %dma_wait3A_261 = tpu.memref_slice %arg4[%mul3A_2, %dma_wait3A_260] : memref<819200x128xf32, #tpu.memory_space<hbm>> -> memref<128x128xf32, #tpu.memory_space<hbm>>
      tpu.wait_dma2 semaphore(%arg11 : memref<!tpu.dma_semaphore, #tpu.memory_space<semaphore_mem>>) src(%arg8 : memref<128x128xf32, #tpu.memory_space<vmem>>) dst(%dma_wait3A_261 : memref<128x128xf32, #tpu.memory_space<hbm>>)
      %mul3A_262 = arith.constant 128 : i32
      %mul3A_263 = arith.muli %add3A_257, %mul3A_262 : i32
      %dma_start3A_264 = tpu.memref_slice %arg6[%mul3A_263] : memref<12800xi32, #tpu.memory_space<vmem>> -> memref<128xi32, #tpu.memory_space<vmem>>
      %dma_start3A_265 = arith.constant 0 : i32
      %dma_start3A_266 = arith.constant 0 : i32
      %dma_start3A_267 = tpu.memref_slice %arg5[%dma_start3A_265, %dma_start3A_266] : memref<10112x128xf32, #tpu.memory_space<vmem_shared>> -> memref<10112x128xf32, #tpu.memory_space<vmem_shared>>
      tpu.enqueue_indirect_dma source(%dma_start3A_267 : memref<10112x128xf32, #tpu.memory_space<vmem_shared>>) target(%arg8 : memref<128x128xf32, #tpu.memory_space<vmem>>) offsets(%dma_start3A_264 : memref<128xi32, #tpu.memory_space<vmem>>) semaphore(%arg9 : memref<!tpu.dma_semaphore, #tpu.memory_space<semaphore_mem>>)
      %dma_wait3A_268 = tpu.memref_slice %arg6[%mul3A_263] : memref<12800xi32, #tpu.memory_space<vmem>> -> memref<128xi32, #tpu.memory_space<vmem>>
      %dma_wait3A_269 = arith.constant 0 : i32
      %dma_wait3A_270 = arith.constant 0 : i32
      %dma_wait3A_271 = tpu.memref_slice %arg5[%dma_wait3A_269, %dma_wait3A_270] : memref<10112x128xf32, #tpu.memory_space<vmem_shared>> -> memref<10112x128xf32, #tpu.memory_space<vmem_shared>>
      tpu.wait_indirect_dma semaphore(%arg9 : memref<!tpu.dma_semaphore, #tpu.memory_space<semaphore_mem>>) src(%dma_wait3A_271 : memref<10112x128xf32, #tpu.memory_space<vmem_shared>>) dst(%arg8 : memref<128x128xf32, #tpu.memory_space<vmem>>)
      %mul3A_272 = arith.constant 128 : i32
      %mul3A_273 = arith.muli %add3A_257, %mul3A_272 : i32
      %add3A_274 = arith.addi %add3A_91, %mul3A_273 : i32
      %dma_start3A_275 = arith.constant 0 : i32
      %dma_start3A_276 = tpu.memref_slice %arg4[%add3A_274, %dma_start3A_275] : memref<819200x128xf32, #tpu.memory_space<hbm>> -> memref<128x128xf32, #tpu.memory_space<hbm>>
      %dma_start3A_277 = arith.constant 0 : i32
      %dma_start3A_278 = tpu.memref_slice %arg4[%add3A_274, %dma_start3A_277] : memref<819200x128xf32, #tpu.memory_space<hbm>> -> memref<128x128xf32, #tpu.memory_space<hbm>>
      tpu.enqueue_dma source(%arg8 : memref<128x128xf32, #tpu.memory_space<vmem>>) target(%dma_start3A_278 : memref<128x128xf32, #tpu.memory_space<hbm>>) target_semaphore(%arg11 : memref<!tpu.dma_semaphore, #tpu.memory_space<semaphore_mem>>)
    }
    %scan3A_169 = arith.constant 24 : i32
    %dma_wait3A_170 = arith.constant 0 : i32
    %dma_wait3A_171 = tpu.memref_slice %arg4[%mul3A_2, %dma_wait3A_170] : memref<819200x128xf32, #tpu.memory_space<hbm>> -> memref<128x128xf32, #tpu.memory_space<hbm>>
    %dma_wait3A_172 = arith.constant 0 : i32
    %dma_wait3A_173 = tpu.memref_slice %arg4[%mul3A_2, %dma_wait3A_172] : memref<819200x128xf32, #tpu.memory_space<hbm>> -> memref<128x128xf32, #tpu.memory_space<hbm>>
    tpu.wait_dma2 semaphore(%arg10 : memref<!tpu.dma_semaphore, #tpu.memory_space<semaphore_mem>>) src(%arg7 : memref<128x128xf32, #tpu.memory_space<vmem>>) dst(%dma_wait3A_173 : memref<128x128xf32, #tpu.memory_space<hbm>>)
    %dma_wait3A_174 = arith.constant 0 : i32
    %dma_wait3A_175 = tpu.memref_slice %arg4[%mul3A_2, %dma_wait3A_174] : memref<819200x128xf32, #tpu.memory_space<hbm>> -> memref<128x128xf32, #tpu.memory_space<hbm>>
    %dma_wait3A_176 = arith.constant 0 : i32
    %dma_wait3A_177 = tpu.memref_slice %arg4[%mul3A_2, %dma_wait3A_176] : memref<819200x128xf32, #tpu.memory_space<hbm>> -> memref<128x128xf32, #tpu.memory_space<hbm>>
    tpu.wait_dma2 semaphore(%arg11 : memref<!tpu.dma_semaphore, #tpu.memory_space<semaphore_mem>>) src(%arg8 : memref<128x128xf32, #tpu.memory_space<vmem>>) dst(%dma_wait3A_177 : memref<128x128xf32, #tpu.memory_space<hbm>>)
    return
  }
}

</mosaic_0001>

<sc_bundles>
// kernel: kernel.3.cloned.1.call-start
scs
__scs_entry_jumppad:
0x0: {  	(pc) =	sbr.rel $0x88, $3  }
0x1: {  	(tag) =	ssettag $0x0;
	lr =	simm.s32 $0x1  }
0x2: {  	[smem:$0x3F9F] =	sst lr;
	_ =	strace $0xD0000000  }
0x3: {  	_ = 	snop  }
0x4: {  	_ = 	snop  }
0x5: {  	_ = 	snop  }
0x6: {  	_ = 	snop  }
0x7: {  	_ = 	snop  }
__scs_overlays_trampoline_lowered:
0x8: {  	[smem:$0x3FAE] =	sst s0  }
0x9: {  	[smem:$0x3FAF] =	sst s1  }
0xa: {  	[smem:$0x3FB0] =	sst s2  }
0xb: {  	[smem:$0x3FB1] =	sst s3  }
0xc: {  	[smem:$0x3FB2] =	sst s4  }
0xd: {  	[smem:$0x3FB3] =	sst s5  }
0xe: {  	[smem:$0x3FB4] =	sst s6  }
0xf: {  	[smem:$0x3FB5] =	sst s7  }
0x10: {  	[smem:$0x3FB6] =	sst s8  }
0x11: {  	[smem:$0x3FB7] =	sst s9;
	s0 =	simm.s32 @!p0 $0x0  }
0x12: {  	s1 =	sld [smem:$0x3F9D];
	s0 =	simm.s32 @p0 $0x1  }
0x13: {  	[smem:$0x3FB8] =	sst s0;
	s0 =	simm.s32 @!p1 $0x0  }
0x14: {  	s2 =	sld [smem:$0x3F9C];
	s0 =	simm.s32 @p1 $0x1  }
0x15: {  	[smem:$0x3FB9] =	sst s0;
	s0 =	simm.s32 @!p2 $0x0  }
0x16: {  	s3 =	sld [smem:$0x3FDB];
	s0 =	simm.s32 @p2 $0x1  }
0x17: {  	s4 =	simm.s32 $0x1BF5;
	[smem:$0x3FBB] =	sst s0  }
0x18: {  	s0 =	sld [smem:$0x3F9E];
	_ =	swait.ge [sflag:s4], $0x0  }
0x19: {  	s7 =	sld [smem:$0x3F9F]  }
0x1a: {  	s8 =	sadd.s32 $0xFFFFE003, lr  }
0x1b: {  	s9 =	sadd.s32 $0xFFFFFEF7, lr;
	s5 =	simm.s32 $0xFFFFFFFF;
	p2 =	slt.u32 s8, $0xFFFFF086  }
0x1c: {  	p1 =	slt.u32 s9, $0xF7A;
	s5 =	simm.s32 @!p2 $0x0  }
0x1d: {  	s5 =	simm.s32 @p1 $0x1;
	p0 =	seq.s32 s7, s2  }
0x1e: {  	s7 =	smul.u32 @!p0 $0xF7A, s2;
	p2 =	seq.s32 @!p0 s5, $0x0  }
0x1f: {  	s9 =	smul.u32 $0xF7A, s1;
	s8 =	simm.s32 @!p0 $0x1BF5;
	p2 =	por !p2, p0  }
0x20: {  	[sflag:s8] =	ssyncset.s32 @!p0 $0xFFFFF086;
	s6 =	sadd.s32 @!p0 s3, s7;
	s7 =	simm.s32 @!p0 $0x108  }
0x21: {  	s3 =	sadd.s32 s3, s9;
	s6 =	sadd.s32 @!p0 $0x88, s6;
	s7 =	simm.s32 @p2 $0x1082  }
0x22: {  	[simem:s7], [sflag:s8] =	dma.local @!p0 [hbm:s6], $0xF7A  }
0x23: {  	s9 =	sor.u32 $0xD0000000, s2;
	s6 =	simm.s32 $0x108;
	_ =	swait.ge @!p0 [sflag:s8], $0x0  }
0x24: {  	s3 =	sadd.s32 $0x88, s3;
	s6 =	simm.s32 @!p1 $0x1082;
	[sflag:s4] =	ssyncset.s32 $0xFFFFF086  }
0x25: {  	[simem:s6], [sflag:s4] =	dma.local [hbm:s3], $0xF7A  }
0x26: {  	[smem:$0x3F9F] =	sst s1;
	(tag) =	ssettag s2;
	_ =	strace s9  }
0x27: {  	s1 =	sld [smem:$0x3FAF]  }
0x28: {  	s2 =	sld [smem:$0x3FB0]  }
0x29: {  	s4 =	sld [smem:$0x3FB2]  }
0x2a: {  	p0 =	seq.s32 s5, $0x0;
	s5 =	sld [smem:$0x3FB3]  }
0x2b: {  	s6 =	sld [smem:$0x3FB4]  }
0x2c: {  	s7 =	sld [smem:$0x3FB5]  }
0x2d: {  	s3 =	simm.s32 $0x108;
	s8 =	sld [smem:$0x3FB6]  }
0x2e: {  	s3 =	simm.s32 @!p0 $0x1082;
	s9 =	sld [smem:$0x3FB7]  }
0x2f: {  	lr =	sadd.s32 s0, s3;
	s0 =	sld [smem:$0x3FAE]  }
0x30: {  	s3 =	sld [smem:$0x3FB1]  }
0x31: {  	[smem:$0x3FBA] =	sst s10  }
0x32: {  	s10 =	sld [smem:$0x3FB8];
	_ =	sdelay $0x3  }
0x33: {  	p0 =	seq.s32 s10, $0x1;
	s10 =	sld [smem:$0x3FBA];
	_ =	sdelay $0x3  }
0x34: {  	[smem:$0x3FBA] =	sst s10  }
0x35: {  	s10 =	sld [smem:$0x3FB9];
	_ =	sdelay $0x3  }
0x36: {  	p1 =	seq.s32 s10, $0x1;
	s10 =	sld [smem:$0x3FBA];
	_ =	sdelay $0x3  }
0x37: {  	[smem:$0x3FBA] =	sst s10  }
0x38: {  	s10 =	sld [smem:$0x3FBB]  }
0x39: {  	_ = 	snop;
	(pc) =	sbr.ind lr, $3  }
0x3a: {  	_ = 	snop  }
0x3b: {  	_ = 	snop  }
0x3c: {  	p2 =	seq.s32 s10, $0x1;
	s10 =	sld [smem:$0x3FBA]  }
0x3d: {  	_ =	shalt  }
0x3e: {  	_ =	shalt  }
0x3f: {  	_ =	shalt  }
0x40: {  	_ =	shalt  }
0x41: {  	_ =	shalt  }
0x42: {  	_ =	shalt  }
0x43: {  	_ =	shalt  }
0x44: {  	_ =	shalt  }
0x45: {  	_ =	shalt  }
0x46: {  	_ =	shalt  }
0x47: {  	_ =	shalt  }
0x48: {  	_ =	shalt  }
0x49: {  	_ =	shalt  }
0x4a: {  	_ =	shalt  }
0x4b: {  	_ =	shalt  }
0x4c: {  	_ =	shalt  }
0x4d: {  	_ =	shalt  }
0x4e: {  	_ =	shalt  }
0x4f: {  	_ =	shalt  }
0x50: {  	_ =	shalt  }
0x51: {  	_ =	shalt  }
0x52: {  	_ =	shalt  }
0x53: {  	_ =	shalt  }
0x54: {  	_ =	shalt  }
0x55: {  	_ =	shalt  }
0x56: {  	_ =	shalt  }
0x57: {  	_ =	shalt  }
0x58: {  	_ =	shalt  }
0x59: {  	_ =	shalt  }
0x5a: {  	_ =	shalt  }
0x5b: {  	_ =	shalt  }
0x5c: {  	_ =	shalt  }
0x5d: {  	_ =	shalt  }
0x5e: {  	_ =	shalt  }
0x5f: {  	_ =	shalt  }
0x60: {  	_ =	shalt  }
0x61: {  	_ =	shalt  }
0x62: {  	_ =	shalt  }
0x63: {  	_ =	shalt  }
0x64: {  	_ =	shalt  }
0x65: {  	_ =	shalt  }
0x66: {  	_ =	shalt  }
0x67: {  	_ =	shalt  }
0x68: {  	_ =	shalt  }
0x69: {  	_ =	shalt  }
0x6a: {  	_ =	shalt  }
0x6b: {  	_ =	shalt  }
0x6c: {  	_ =	shalt  }
0x6d: {  	_ =	shalt  }
0x6e: {  	_ =	shalt  }
0x6f: {  	_ =	shalt  }
0x70: {  	_ =	shalt  }
0x71: {  	_ =	shalt  }
0x72: {  	_ =	shalt  }
0x73: {  	_ =	shalt  }
0x74: {  	_ =	shalt  }
0x75: {  	_ =	shalt  }
0x76: {  	_ =	shalt  }
0x77: {  	_ =	shalt  }
0x78: {  	_ =	shalt  }
0x79: {  	_ =	shalt  }
0x7a: {  	_ =	shalt  }
0x7b: {  	_ =	shalt  }
0x7c: {  	_ =	shalt  }
0x7d: {  	_ =	shalt  }
0x7e: {  	_ =	shalt  }
0x7f: {  	_ =	shalt  }
0x80: {  	_ =	shalt  }
0x81: {  	_ =	shalt  }
0x82: {  	_ =	shalt  }
0x83: {  	_ =	shalt  }
0x84: {  	_ =	shalt  }
0x85: {  	_ =	shalt  }
0x86: {  	_ =	shalt  }
0x87: {  	_ =	shalt  }
.Lfunc_end0:
.L_simem_size_0:
called_computation.1_lowered:
.L_overlay_start_0:
0x88: {  	s2 =	sld [smem:$0x3FD9]  }
0x89: {  	s3 =	sld [smem:$0x3FFE];
	_ =	sdelay $0x1  }
0x8a: {  	s1 =	srdreg.scid  }
0x8b: {  	s0 =	sand.u32 $0x1, s1  }
0x8c: {  	s17 =	sshll.u32 s0, $0xA;
	s2 =	sadd.s32 s3, s2  }
0x8d: {  	s2 =	sadd.s32 s2, s17  }
0x8e: {  	[smem:$0x3FC6] =	sst s2  }
0x8f: {  	_ = 	snop  }
0x90: {  	s2 =	sld [smem:$0x3FD0];
	(tm) =	ssettm $0x1  }
0x91: {  	s18 =	sld [smem:$0x3FFB];
	_ =	sdelay $0x3  }
0x92: {  	_ =	strace s18  }
0x93: {  	s3 =	sld [smem:$0x3FFC];
	_ =	sdelay $0x3  }
0x94: {  	_ =	strace s3  }
0x95: {  	s3 =	sld [smem:$0x3FFD];
	_ =	sdelay $0x3  }
0x96: {  	_ =	strace s3  }
0x97: {  	_ =	strace $0x8FFFFFFF  }
0x98: {  	s19 =	sld [smem:$0x3FDB];
	_ =	sdelay $0x1  }
0x99: {  	s4 =	simm.s32 $_scs_section_size  }
0x9a: {  	s5 =	simm.s32 $_size__tile_overlayer_lowered;
	s6 =	simm.s32 $_tile_overlayer_lowered  }
0x9b: {  	s22 =	simm.s32 $0x1BFF;
	s21 =	sshll.u32 s6, $0x1;
	s3 =	sadd.s32 s4, s19  }
0x9c: {  	s7 =	simm.s32 $0x0;
	s20 =	sshll.u32 s5, $0x1;
	s5 =	sadd.s32 s21, s3  }
0x9d: {  	[timem:s7], [sflag:s22] =	dma.local [hbm:s5], s20  }
0x9e: {  	_ =	swait.ge [sflag:s22], s20  }
0x9f: {  	s4 =	ssub.s32 $0x0, s20;
	[sflag:s22] =	ssyncset.done $0x0  }
0xa0: {  	[sflag:s22] =	ssyncadd.s32 s4;
	_ =	sdelay $0x1  }
0xa1: {  	s23 =	simm.s32 $0x1B8B  }
0xa2: {  	_ =	swait.ge [sflag:s23], $0x1  }
0xa3: {  	[sflag:s23] =	ssyncset.done $0x0  }
0xa4: {  	s25 =	simm.s32 $0x1B8E;
	s24 =	sld [smem:$0x3FFE];
	[sflag:s23] =	ssyncadd.s32 $0xFFFFFFFF  }
0xa5: {  	s26 =	simm.s32 $execute0_lowered;
	[smem:$0x3FD2] =	sst s25  }
0xa6: {  	s5 =	sshll.u32 s26, $0x1;
	_ =	strace $0x80000046;
	[dreg:$0x1] =	wrdreg $0xFFFFFFFF  }
0xa7: {  	s28 =	simm.s32 $_size_execute0_lowered;
	s3 =	sadd.s32 s3, s5;
	[dreg:$0x0] =	wrdreg $0x0  }
0xa8: {  	s5 =	sshll.u32 s28, $0x1;
	[dreg:$0x2] =	wrdreg s3  }
0xa9: {  	[dreg:$0x3] =	wrdreg s5  }
0xaa: {  	[dreg:$0x4] =	wrdreg $0xC0  }
0xab: {  	_ =	task [dreg:s7], $0x5FFFF  }
0xac: {  	[dreg:$0x1] =	wrdreg $0xFFFFFFFF  }
0xad: {  	[dreg:$0x0] =	wrdreg $0x60  }
0xae: {  	[dreg:$0x2] =	wrdreg s2  }
0xaf: {  	[dreg:$0x3] =	wrdreg s24  }
0xb0: {  	[dreg:$0x4] =	wrdreg $0x0  }
0xb1: {  	[dreg:$0x5] =	wrdreg $0x9  }
0xb2: {  	_ =	task.clear_ibuf [dreg:s7], $0x6FFFF;
	_ =	strace $0x90000046  }
0xb3: {  	s29 =	simm.s32 $0x9;
	_ =	strace $0x80000048  }
0xb4: {  	_ =	swait.ge [sflag:s29], $0x1  }
0xb5: {  	[sflag:s29] =	ssyncadd.s32 $0xFFFFFFFF  }
0xb6: {  	_ =	strace $0x90000048  }
0xb7: {  	_ =	sfence  }
0xb8: {  	s30 =	sld [smem:$0x0];
	_ =	sdelay $0x2  }
0xb9: {  	s31 =	sshll.u32 s1, $0xD;
	s1 =	sshrl.u32 s1, $0x2  }
0xba: {  	s3 =	sand.u32 $0x4000, s31;
	s1 =	sadd.s32 s1, s30  }
0xbb: {  	s0 =	sor.u32 s3, s0;
	s1 =	sshll.u32 s1, $0x11  }
0xbc: {  	s0 =	sor.u32 s1, s0  }
0xbd: {  	s0 =	sadd.s32 $0x8F2B, s0  }
0xbe: {  	[sflag:s0] =	ssyncadd.remote.s32 $0x1  }
0xbf: {  	_ =	sfence.sel $0xFFFF  }
0xc0: {  	[dreg:$0x0] =	wrdreg $0xFFFFFFFF;
	(pc) =	sbr.abs _section_cstart, $3  }
0xc1: {  	[dreg:$0x1] =	wrdreg $0xFFFFFFFF  }
0xc2: {  	_ =	task.clear_ibuf [dreg:s7], $0x2FFFF;
	_ =	strace $0x9FFFFFFF  }
0xc3: {  	(tm) =	ssettm $0x7FFFFFFF  }
tec
execute0_lowered:
.L_overlay_start_1:
0x0: {  	(tag) =	ssettag $0x1  }
0x1: {  	s0 =	rddreg [dreg:$0x0]  }
0x2: {  	s2 =	rddreg [dreg:$0x1]  }
0x3: {  	s1 =	rddreg [dreg:$0x2]  }
0x4: {  	s3 =	simm.s32 $0x0;
	s4 =	srdreg.scid;
	s13 =	stileid.u32  }
0x5: {  	s28 =	simm.s32 $0x13D00;
	s29 =	simm.s32 $0x2;
	s30 =	simm.s32 $0x13D80  }
0x6: {  	s31 =	simm.s32 $0x3;
	[smem:$0x7FF] =	sst s3;
	s5 =	sadd.s32 $0xA00, s2  }
0x7: {  	s4 =	sand.u32 $0x1, s4;
	s6 =	sshll.u32 s13, $0x1;
	s14 =	smul.u32 $0x4F000, s13  }
0x8: {  	s2 =	sadd.s32 $0x19A00, s2;
	s15 =	smul.u32 $0x2780, s13;
	s18 =	sshll.u32 s13, $0x6  }
0x9: {  	s7 =	ssub.s32 $0x2, s4;
	s9 =	sor.u32 s4, s6;
	s4 =	smul.u32 $0x64000, s4  }
0xa: {  	_ =	strace $0x80000047;
	s20 =	sor.u32 $0x1C04, s18;
	s10 =	smul.u32 $0x6400, s9  }
0xb: {  	s8 =	sshrl.u32 s7, $0x1;
	s6 =	sshrl.u32 s14, $0x2;
	s19 =	smul.u32 $0x64000, s9  }
0xc: {  	s0 =	sadd.s32 s0, s15;
	[dreg:$0x5] =	wrdreg s20;
	s12 =	smul.u32 $0x320000, s9  }
0xd: {  	s15 =	smul.u32 $0xC8000, s13;
	s20 =	simm.s32 $0x4;
	s16 =	ssub.s32 s7, s8  }
0xe: {  	s17 =	sadd.s32 s6, s1;
	[dreg:$0x4] =	wrdreg s0;
	s21 =	sshrl.u32 s10, $0x3  }
0xf: {  	s7 =	sadd.s32 s2, s19;
	s22 =	sadd.s32 $0x3200, s10;
	s24 =	sshrl.u32 s12, $0x3  }
0x10: {  	s16 =	smax.u32 s16, $0x1;
	s19 =	sshrl.u32 s17, $0x3;
	s0 =	sadd.s32 s5, s21  }
0x11: {  	s23 =	sadd.s32 $0x800, s7;
	s11 =	sshrl.u32 s22, $0x3;
	s9 =	sadd.s32 $0x1000, s7  }
0x12: {  	s10 =	sadd.s32 $0x1800, s7;
	s25 =	sadd.s32 s2, s24;
	[dreg:$0x6] =	wrdreg s0  }
0x13: {  	s21 =	simm.s32 $0x13C00;
	s24 =	simm.s32 $0x1;
	[dreg:$0x7] =	wrdreg s23  }
0x14: {  	s11 =	sadd.s32 s5, s11;
	s0 =	sshll.u32 s22, $0x4;
	s13 =	sadd.s32 $0x32800, s25  }
0x15: {  	s14 =	sadd.s32 $0x33000, s25;
	s22 =	simm.s32 $0x80;
	s23 =	simm.s32 $0x16E00  }
0x16: {  	s12 =	sadd.s32 s2, s0;
	s2 =	sadd.s32 s15, s2;
	s15 =	sadd.s32 $0x33800, s25  }
0x17: {  	s25 =	simm.s32 $0x13C80;
	s0 =	simm.s32 $0x0;
	s26 =	sadd.s32 s4, s2  }
0x18: {  	s5 =	sadd.s32 $0x3800, s26;
	s18 =	sadd.s32 $0x35800, s26;
	s26 =	simm.s32 $0x1AE00  }
.LBB2_1:
0x19: {  	s2 =	rddreg [dreg:$0x4]  }
0x1a: {  	s4 =	rddreg [dreg:$0x5]  }
0x1b: {  	[spmem:s19], [sflag:s4] =	dma.local [hbm:s2], $0x2780  }
0x1c: {  	_ =	swait.ge [sflag:s20], $0x2780  }
0x1d: {  	[sflag:s20] =	ssyncset.done $0x0  }
0x1e: {  	[sflag:s20] =	ssyncadd.s32 $0xFFFFD880  }
0x1f: {  	[bflag:$0x0] =	sbarrier.arrive $0xFFFF  }
0x20: {  	s17 =	rddreg [dreg:$0x6]  }
0x21: {  	[tilespmem:s21], [sflag:$0x4] =	stream.linear.gather [hbm4b:s17+s3], $0x3200, $0x38;
	[tilespmem:$0x1EE00] =	vst v63  }
0x22: {  	_ =	swait.ge [sflag:s20], $0x3200  }
0x23: {  	[sflag:s20] =	ssyncset.done $0x0  }
0x24: {  	[sflag:s20] =	ssyncadd.s32 $0xFFFFCE00  }
0x25: {  	[tilespmem:s23], [sflag:$0x1] =	stream.indirect.gather [spmem:s1], $0x80, s21, s22, $0xb8;
	[tilespmem:$0x1EE00] =	vst v63  }
0x26: {  	_ =	swait.ge [sflag:s24], $0x4000  }
0x27: {  	[sflag:s24] =	ssyncset.done $0x0  }
0x28: {  	[sflag:s24] =	ssyncadd.s32 $0xFFFFC000  }
0x29: {  	[hbm4b:s7+s3] =	stream.linear.scatter [tilespmem:s23], [sflag:$0x2], $0x4000, $0x38;
	[tilespmem:$0x1EE00] =	vst v63  }
0x2a: {  	_ = 	snop  }
0x2b: {  	[tilespmem:s26], [sflag:$0x1] =	stream.indirect.gather [spmem:s1], $0x80, s25, s22, $0xb8;
	[tilespmem:$0x1EE00] =	vst v63  }
0x2c: {  	_ =	swait.ge [sflag:s24], $0x4000  }
0x2d: {  	[sflag:s24] =	ssyncset.done $0x0  }
0x2e: {  	s4 =	rddreg [dreg:$0x7];
	[sflag:s24] =	ssyncadd.s32 $0xFFFFC000  }
0x2f: {  	[hbm4b:s4+s3] =	stream.linear.scatter [tilespmem:s26], [sflag:$0x3], $0x4000, $0x38;
	[tilespmem:$0x1EE00] =	vst v63  }
0x30: {  	_ = 	snop  }
0x31: {  	[tilespmem:s23], [sflag:$0x1] =	stream.indirect.gather [spmem:s1], $0x80, s28, s22, $0xb8;
	[tilespmem:$0x1EE00] =	vst v63  }
0x32: {  	_ =	swait.ge [sflag:s24], $0x4000  }
0x33: {  	[sflag:s24] =	ssyncset.done $0x0  }
0x34: {  	[sflag:s24] =	ssyncadd.s32 $0xFFFFC000  }
0x35: {  	_ =	swait.ge [sflag:s29], $0x4000  }
0x36: {  	[sflag:s29] =	ssyncset.done $0x0  }
0x37: {  	[sflag:s29] =	ssyncadd.s32 $0xFFFFC000  }
0x38: {  	[hbm4b:s9+s3] =	stream.linear.scatter [tilespmem:s23], [sflag:$0x2], $0x4000, $0x38;
	[tilespmem:$0x1EE00] =	vst v63  }
0x39: {  	_ = 	snop  }
0x3a: {  	[tilespmem:s26], [sflag:$0x1] =	stream.indirect.gather [spmem:s1], $0x80, s30, s22, $0xb8;
	[tilespmem:$0x1EE00] =	vst v63  }
0x3b: {  	_ =	swait.ge [sflag:s24], $0x4000  }
0x3c: {  	[sflag:s24] =	ssyncset.done $0x0  }
0x3d: {  	[sflag:s24] =	ssyncadd.s32 $0xFFFFC000  }
0x3e: {  	_ =	swait.ge [sflag:s31], $0x4000  }
0x3f: {  	[sflag:s31] =	ssyncset.done $0x0  }
0x40: {  	[sflag:s31] =	ssyncadd.s32 $0xFFFFC000  }
0x41: {  	[hbm4b:s10+s3] =	stream.linear.scatter [tilespmem:s26], [sflag:$0x3], $0x4000, $0x38;
	[tilespmem:$0x1EE00] =	vst v63  }
0x42: {  	_ =	swait.ge [sflag:s29], $0x4000  }
0x43: {  	[sflag:s29] =	ssyncset.done $0x0  }
0x44: {  	s6 =	simm.s32 $0x13E00;
	[sflag:s29] =	ssyncadd.s32 $0xFFFFC000  }
0x45: {  	[tilespmem:s23], [sflag:$0x1] =	stream.indirect.gather [spmem:s1], $0x80, s6, s22, $0xb8;
	[tilespmem:$0x1EE00] =	vst v63  }
0x46: {  	_ =	swait.ge [sflag:s24], $0x4000  }
0x47: {  	[sflag:s24] =	ssyncset.done $0x0  }
0x48: {  	s8 =	sadd.s32 $0xFFFFE800, s5;
	[sflag:s24] =	ssyncadd.s32 $0xFFFFC000  }
0x49: {  	[hbm4b:s8+s3] =	stream.linear.scatter [tilespmem:s23], [sflag:$0x2], $0x4000, $0x38;
	[tilespmem:$0x1EE00] =	vst v63  }
0x4a: {  	_ =	swait.ge [sflag:s31], $0x4000  }
0x4b: {  	[sflag:s31] =	ssyncset.done $0x0  }
0x4c: {  	s17 =	simm.s32 $0x13E80;
	[sflag:s31] =	ssyncadd.s32 $0xFFFFC000  }
0x4d: {  	[tilespmem:s26], [sflag:$0x1] =	stream.indirect.gather [spmem:s1], $0x80, s17, s22, $0xb8;
	[tilespmem:$0x1EE00] =	vst v63  }
0x4e: {  	_ =	swait.ge [sflag:s24], $0x4000  }
0x4f: {  	[sflag:s24] =	ssyncset.done $0x0  }
0x50: {  	s4 =	sadd.s32 $0xFFFFF000, s5;
	[sflag:s24] =	ssyncadd.s32 $0xFFFFC000  }
0x51: {  	[hbm4b:s4+s3] =	stream.linear.scatter [tilespmem:s26], [sflag:$0x3], $0x4000, $0x38;
	[tilespmem:$0x1EE00] =	vst v63  }
0x52: {  	_ =	swait.ge [sflag:s29], $0x4000  }
0x53: {  	[sflag:s29] =	ssyncset.done $0x0  }
0x54: {  	s6 =	simm.s32 $0x13F00;
	[sflag:s29] =	ssyncadd.s32 $0xFFFFC000  }
0x55: {  	[tilespmem:s23], [sflag:$0x1] =	stream.indirect.gather [spmem:s1], $0x80, s6, s22, $0xb8;
	[tilespmem:$0x1EE00] =	vst v63  }
0x56: {  	_ =	swait.ge [sflag:s24], $0x4000  }
0x57: {  	[sflag:s24] =	ssyncset.done $0x0  }
0x58: {  	s8 =	sadd.s32 $0xFFFFF800, s5;
	[sflag:s24] =	ssyncadd.s32 $0xFFFFC000  }
0x59: {  	[hbm4b:s8+s3] =	stream.linear.scatter [tilespmem:s23], [sflag:$0x2], $0x4000, $0x38;
	[tilespmem:$0x1EE00] =	vst v63  }
0x5a: {  	_ =	swait.ge [sflag:s31], $0x4000  }
0x5b: {  	[sflag:s31] =	ssyncset.done $0x0  }
0x5c: {  	s17 =	simm.s32 $0x13F80;
	[sflag:s31] =	ssyncadd.s32 $0xFFFFC000  }
0x5d: {  	[tilespmem:s26], [sflag:$0x1] =	stream.indirect.gather [spmem:s1], $0x80, s17, s22, $0xb8;
	[tilespmem:$0x1EE00] =	vst v63  }
0x5e: {  	_ =	swait.ge [sflag:s24], $0x4000  }
0x5f: {  	s2 =	simm.s32 $0x800;
	[sflag:s24] =	ssyncset.done $0x0  }
0x60: {  	s4 =	sadd.s32 $0x2000, s5;
	s17 =	smov.u32 s5;
	[sflag:s24] =	ssyncadd.s32 $0xFFFFC000  }
.LBB2_2:
0x61: {  	[hbm4b:s17+s3] =	stream.linear.scatter [tilespmem:s26], [sflag:$0x3], $0x4000, $0x38;
	[tilespmem:$0x1EE00] =	vst v63  }
0x62: {  	s6 =	smov.u32 s2;
	s17 =	smov.u32 s4  }
0x63: {  	p0 =	sne.s32 s2, $0xB800;
	s2 =	sadd.s32 $0x800, s2;
	_ =	swait.ge [sflag:s29], $0x4000  }
0x64: {  	s6 =	sshra.s32 s6, $0x2;
	[sflag:s29] =	ssyncset.done $0x0  }
0x65: {  	s8 =	sadd.s32 $0x13E00, s6;
	[sflag:s29] =	ssyncadd.s32 $0xFFFFC000  }
0x66: {  	[tilespmem:s23], [sflag:$0x1] =	stream.indirect.gather [spmem:s1], $0x80, s8, s22, $0xb8;
	[tilespmem:$0x1EE00] =	vst v63  }
0x67: {  	_ =	swait.ge [sflag:s24], $0x4000  }
0x68: {  	[sflag:s24] =	ssyncset.done $0x0  }
0x69: {  	s8 =	sadd.s32 $0xFFFFE800, s4;
	[sflag:s24] =	ssyncadd.s32 $0xFFFFC000  }
0x6a: {  	[hbm4b:s8+s3] =	stream.linear.scatter [tilespmem:s23], [sflag:$0x2], $0x4000, $0x38;
	[tilespmem:$0x1EE00] =	vst v63  }
0x6b: {  	_ =	swait.ge [sflag:s31], $0x4000  }
0x6c: {  	[sflag:s31] =	ssyncset.done $0x0  }
0x6d: {  	s8 =	sadd.s32 $0x13E80, s6;
	[sflag:s31] =	ssyncadd.s32 $0xFFFFC000  }
0x6e: {  	[tilespmem:s26], [sflag:$0x1] =	stream.indirect.gather [spmem:s1], $0x80, s8, s22, $0xb8;
	[tilespmem:$0x1EE00] =	vst v63  }
0x6f: {  	_ =	swait.ge [sflag:s24], $0x4000  }
0x70: {  	[sflag:s24] =	ssyncset.done $0x0  }
0x71: {  	s8 =	sadd.s32 $0xFFFFF000, s4;
	[sflag:s24] =	ssyncadd.s32 $0xFFFFC000  }
0x72: {  	[hbm4b:s8+s3] =	stream.linear.scatter [tilespmem:s26], [sflag:$0x3], $0x4000, $0x38;
	[tilespmem:$0x1EE00] =	vst v63  }
0x73: {  	_ =	swait.ge [sflag:s29], $0x4000  }
0x74: {  	[sflag:s29] =	ssyncset.done $0x0  }
0x75: {  	s8 =	sadd.s32 $0x13F00, s6;
	[sflag:s29] =	ssyncadd.s32 $0xFFFFC000  }
0x76: {  	[tilespmem:s23], [sflag:$0x1] =	stream.indirect.gather [spmem:s1], $0x80, s8, s22, $0xb8;
	[tilespmem:$0x1EE00] =	vst v63  }
0x77: {  	_ =	swait.ge [sflag:s24], $0x4000  }
0x78: {  	[sflag:s24] =	ssyncset.done $0x0  }
0x79: {  	s8 =	sadd.s32 $0xFFFFF800, s4;
	[sflag:s24] =	ssyncadd.s32 $0xFFFFC000  }
0x7a: {  	[hbm4b:s8+s3] =	stream.linear.scatter [tilespmem:s23], [sflag:$0x2], $0x4000, $0x38;
	[tilespmem:$0x1EE00] =	vst v63  }
0x7b: {  	_ =	swait.ge [sflag:s31], $0x4000  }
0x7c: {  	[sflag:s31] =	ssyncset.done $0x0  }
.Ltmp0:
0x7d: {  	s6 =	sadd.s32 $0x13F80, s6;
	[sflag:s31] =	ssyncadd.s32 $0xFFFFC000;
	(pc) =	sbr.rel @p0 .LBB2_2-.Ltmp0, $4  }
0x7e: {  	[tilespmem:s26], [sflag:$0x1] =	stream.indirect.gather [spmem:s1], $0x80, s6, s22, $0xb8;
	[tilespmem:$0x1EE00] =	vst v63  }
0x7f: {  	_ =	swait.ge [sflag:s24], $0x4000  }
0x80: {  	[sflag:s24] =	ssyncset.done $0x0  }
0x81: {  	s4 =	sadd.s32 $0x2000, s4;
	[sflag:s24] =	ssyncadd.s32 $0xFFFFC000  }
0x82: {  	[hbm4b:s17+s3] =	stream.linear.scatter [tilespmem:s26], [sflag:$0x3], $0x4000, $0x38;
	[tilespmem:$0x1EE00] =	vst v63  }
0x83: {  	_ =	swait.ge [sflag:s29], $0x4000  }
0x84: {  	[sflag:s29] =	ssyncset.done $0x0  }
0x85: {  	[sflag:s29] =	ssyncadd.s32 $0xFFFFC000  }
0x86: {  	_ =	swait.ge [sflag:s31], $0x4000  }
0x87: {  	[sflag:s31] =	ssyncset.done $0x0  }
0x88: {  	s2 =	simm.s32 $0x0;
	[sflag:s31] =	ssyncadd.s32 $0xFFFFC000  }
0x89: {  	[tilespmem:s21], [sflag:$0x4] =	stream.linear.gather [hbm4b:s11+s2], $0x3200, $0x38;
	[tilespmem:$0x1EE00] =	vst v63  }
0x8a: {  	_ =	swait.ge [sflag:s20], $0x3200  }
0x8b: {  	[sflag:s20] =	ssyncset.done $0x0  }
0x8c: {  	[sflag:s20] =	ssyncadd.s32 $0xFFFFCE00  }
0x8d: {  	[tilespmem:s23], [sflag:$0x1] =	stream.indirect.gather [spmem:s1], $0x80, s21, s22, $0xb8;
	[tilespmem:$0x1EE00] =	vst v63  }
0x8e: {  	_ =	swait.ge [sflag:s24], $0x4000  }
0x8f: {  	[sflag:s24] =	ssyncset.done $0x0  }
0x90: {  	[sflag:s24] =	ssyncadd.s32 $0xFFFFC000  }
0x91: {  	[hbm4b:s12+s2] =	stream.linear.scatter [tilespmem:s23], [sflag:$0x2], $0x4000, $0x38;
	[tilespmem:$0x1EE00] =	vst v63  }
0x92: {  	_ = 	snop  }
0x93: {  	[tilespmem:s26], [sflag:$0x1] =	stream.indirect.gather [spmem:s1], $0x80, s25, s22, $0xb8;
	[tilespmem:$0x1EE00] =	vst v63  }
0x94: {  	_ =	swait.ge [sflag:s24], $0x4000  }
0x95: {  	[sflag:s24] =	ssyncset.done $0x0  }
0x96: {  	[sflag:s24] =	ssyncadd.s32 $0xFFFFC000  }
0x97: {  	[hbm4b:s13+s2] =	stream.linear.scatter [tilespmem:s26], [sflag:$0x3], $0x4000, $0x38;
	[tilespmem:$0x1EE00] =	vst v63  }
0x98: {  	_ = 	snop  }
0x99: {  	[tilespmem:s23], [sflag:$0x1] =	stream.indirect.gather [spmem:s1], $0x80, s28, s22, $0xb8;
	[tilespmem:$0x1EE00] =	vst v63  }
0x9a: {  	_ =	swait.ge [sflag:s24], $0x4000  }
0x9b: {  	[sflag:s24] =	ssyncset.done $0x0  }
0x9c: {  	[sflag:s24] =	ssyncadd.s32 $0xFFFFC000  }
0x9d: {  	_ =	swait.ge [sflag:s29], $0x4000  }
0x9e: {  	[sflag:s29] =	ssyncset.done $0x0  }
0x9f: {  	[sflag:s29] =	ssyncadd.s32 $0xFFFFC000  }
0xa0: {  	[hbm4b:s14+s2] =	stream.linear.scatter [tilespmem:s23], [sflag:$0x2], $0x4000, $0x38;
	[tilespmem:$0x1EE00] =	vst v63  }
0xa1: {  	_ = 	snop  }
0xa2: {  	[tilespmem:s26], [sflag:$0x1] =	stream.indirect.gather [spmem:s1], $0x80, s30, s22, $0xb8;
	[tilespmem:$0x1EE00] =	vst v63  }
0xa3: {  	_ =	swait.ge [sflag:s24], $0x4000  }
0xa4: {  	[sflag:s24] =	ssyncset.done $0x0  }
0xa5: {  	[sflag:s24] =	ssyncadd.s32 $0xFFFFC000  }
0xa6: {  	_ =	swait.ge [sflag:s31], $0x4000  }
0xa7: {  	[sflag:s31] =	ssyncset.done $0x0  }
0xa8: {  	[sflag:s31] =	ssyncadd.s32 $0xFFFFC000  }
0xa9: {  	[hbm4b:s15+s2] =	stream.linear.scatter [tilespmem:s26], [sflag:$0x3], $0x4000, $0x38;
	[tilespmem:$0x1EE00] =	vst v63  }
0xaa: {  	_ =	swait.ge [sflag:s29], $0x4000  }
0xab: {  	[sflag:s29] =	ssyncset.done $0x0  }
0xac: {  	s6 =	simm.s32 $0x13E00;
	[sflag:s29] =	ssyncadd.s32 $0xFFFFC000  }
0xad: {  	[tilespmem:s23], [sflag:$0x1] =	stream.indirect.gather [spmem:s1], $0x80, s6, s22, $0xb8;
	[tilespmem:$0x1EE00] =	vst v63  }
0xae: {  	_ =	swait.ge [sflag:s24], $0x4000  }
0xaf: {  	[sflag:s24] =	ssyncset.done $0x0  }
0xb0: {  	s8 =	sadd.s32 $0xFFFFE800, s18;
	[sflag:s24] =	ssyncadd.s32 $0xFFFFC000  }
0xb1: {  	[hbm4b:s8+s3] =	stream.linear.scatter [tilespmem:s23], [sflag:$0x2], $0x4000, $0x38;
	[tilespmem:$0x1EE00] =	vst v63  }
0xb2: {  	_ =	swait.ge [sflag:s31], $0x4000  }
0xb3: {  	[sflag:s31] =	ssyncset.done $0x0  }
0xb4: {  	s17 =	simm.s32 $0x13E80;
	[sflag:s31] =	ssyncadd.s32 $0xFFFFC000  }
0xb5: {  	[tilespmem:s26], [sflag:$0x1] =	stream.indirect.gather [spmem:s1], $0x80, s17, s22, $0xb8;
	[tilespmem:$0x1EE00] =	vst v63  }
0xb6: {  	_ =	swait.ge [sflag:s24], $0x4000  }
0xb7: {  	[sflag:s24] =	ssyncset.done $0x0  }
0xb8: {  	s4 =	sadd.s32 $0xFFFFF000, s18;
	[sflag:s24] =	ssyncadd.s32 $0xFFFFC000  }
0xb9: {  	[hbm4b:s4+s3] =	stream.linear.scatter [tilespmem:s26], [sflag:$0x3], $0x4000, $0x38;
	[tilespmem:$0x1EE00] =	vst v63  }
0xba: {  	_ =	swait.ge [sflag:s29], $0x4000  }
0xbb: {  	[sflag:s29] =	ssyncset.done $0x0  }
0xbc: {  	s6 =	simm.s32 $0x13F00;
	[sflag:s29] =	ssyncadd.s32 $0xFFFFC000  }
0xbd: {  	[tilespmem:s23], [sflag:$0x1] =	stream.indirect.gather [spmem:s1], $0x80, s6, s22, $0xb8;
	[tilespmem:$0x1EE00] =	vst v63  }
0xbe: {  	_ =	swait.ge [sflag:s24], $0x4000  }
0xbf: {  	[sflag:s24] =	ssyncset.done $0x0  }
0xc0: {  	s8 =	sadd.s32 $0xFFFFF800, s18;
	[sflag:s24] =	ssyncadd.s32 $0xFFFFC000  }
0xc1: {  	[hbm4b:s8+s3] =	stream.linear.scatter [tilespmem:s23], [sflag:$0x2], $0x4000, $0x38;
	[tilespmem:$0x1EE00] =	vst v63  }
0xc2: {  	_ =	swait.ge [sflag:s31], $0x4000  }
0xc3: {  	[sflag:s31] =	ssyncset.done $0x0  }
0xc4: {  	s17 =	simm.s32 $0x13F80;
	[sflag:s31] =	ssyncadd.s32 $0xFFFFC000  }
0xc5: {  	[tilespmem:s26], [sflag:$0x1] =	stream.indirect.gather [spmem:s1], $0x80, s17, s22, $0xb8;
	[tilespmem:$0x1EE00] =	vst v63  }
0xc6: {  	_ =	swait.ge [sflag:s24], $0x4000  }
0xc7: {  	s2 =	simm.s32 $0x800;
	[sflag:s24] =	ssyncset.done $0x0  }
0xc8: {  	s4 =	sadd.s32 $0x2000, s18;
	s17 =	smov.u32 s18;
	[sflag:s24] =	ssyncadd.s32 $0xFFFFC000  }
.LBB2_4:
0xc9: {  	[hbm4b:s17+s3] =	stream.linear.scatter [tilespmem:s26], [sflag:$0x3], $0x4000, $0x38;
	[tilespmem:$0x1EE00] =	vst v63  }
0xca: {  	s6 =	smov.u32 s2;
	s17 =	smov.u32 s4  }
0xcb: {  	p0 =	sne.s32 s2, $0xB800;
	s2 =	sadd.s32 $0x800, s2;
	_ =	swait.ge [sflag:s29], $0x4000  }
0xcc: {  	s6 =	sshra.s32 s6, $0x2;
	[sflag:s29] =	ssyncset.done $0x0  }
0xcd: {  	s8 =	sadd.s32 $0x13E00, s6;
	[sflag:s29] =	ssyncadd.s32 $0xFFFFC000  }
0xce: {  	[tilespmem:s23], [sflag:$0x1] =	stream.indirect.gather [spmem:s1], $0x80, s8, s22, $0xb8;
	[tilespmem:$0x1EE00] =	vst v63  }
0xcf: {  	_ =	swait.ge [sflag:s24], $0x4000  }
0xd0: {  	[sflag:s24] =	ssyncset.done $0x0  }
0xd1: {  	s8 =	sadd.s32 $0xFFFFE800, s4;
	[sflag:s24] =	ssyncadd.s32 $0xFFFFC000  }
0xd2: {  	[hbm4b:s8+s3] =	stream.linear.scatter [tilespmem:s23], [sflag:$0x2], $0x4000, $0x38;
	[tilespmem:$0x1EE00] =	vst v63  }
0xd3: {  	_ =	swait.ge [sflag:s31], $0x4000  }
0xd4: {  	[sflag:s31] =	ssyncset.done $0x0  }
0xd5: {  	s8 =	sadd.s32 $0x13E80, s6;
	[sflag:s31] =	ssyncadd.s32 $0xFFFFC000  }
0xd6: {  	[tilespmem:s26], [sflag:$0x1] =	stream.indirect.gather [spmem:s1], $0x80, s8, s22, $0xb8;
	[tilespmem:$0x1EE00] =	vst v63  }
0xd7: {  	_ =	swait.ge [sflag:s24], $0x4000  }
0xd8: {  	[sflag:s24] =	ssyncset.done $0x0  }
0xd9: {  	s8 =	sadd.s32 $0xFFFFF000, s4;
	[sflag:s24] =	ssyncadd.s32 $0xFFFFC000  }
0xda: {  	[hbm4b:s8+s3] =	stream.linear.scatter [tilespmem:s26], [sflag:$0x3], $0x4000, $0x38;
	[tilespmem:$0x1EE00] =	vst v63  }
0xdb: {  	_ =	swait.ge [sflag:s29], $0x4000  }
0xdc: {  	[sflag:s29] =	ssyncset.done $0x0  }
0xdd: {  	s8 =	sadd.s32 $0x13F00, s6;
	[sflag:s29] =	ssyncadd.s32 $0xFFFFC000  }
0xde: {  	[tilespmem:s23], [sflag:$0x1] =	stream.indirect.gather [spmem:s1], $0x80, s8, s22, $0xb8;
	[tilespmem:$0x1EE00] =	vst v63  }
0xdf: {  	_ =	swait.ge [sflag:s24], $0x4000  }
0xe0: {  	[sflag:s24] =	ssyncset.done $0x0  }
0xe1: {  	s8 =	sadd.s32 $0xFFFFF800, s4;
	[sflag:s24] =	ssyncadd.s32 $0xFFFFC000  }
0xe2: {  	[hbm4b:s8+s3] =	stream.linear.scatter [tilespmem:s23], [sflag:$0x2], $0x4000, $0x38;
	[tilespmem:$0x1EE00] =	vst v63  }
0xe3: {  	_ =	swait.ge [sflag:s31], $0x4000  }
0xe4: {  	[sflag:s31] =	ssyncset.done $0x0  }
.Ltmp1:
0xe5: {  	s6 =	sadd.s32 $0x13F80, s6;
	[sflag:s31] =	ssyncadd.s32 $0xFFFFC000;
	(pc) =	sbr.rel @p0 .LBB2_4-.Ltmp1, $4  }
0xe6: {  	[tilespmem:s26], [sflag:$0x1] =	stream.indirect.gather [spmem:s1], $0x80, s6, s22, $0xb8;
	[tilespmem:$0x1EE00] =	vst v63  }
0xe7: {  	_ =	swait.ge [sflag:s24], $0x4000  }
0xe8: {  	[sflag:s24] =	ssyncset.done $0x0  }
0xe9: {  	s4 =	sadd.s32 $0x2000, s4;
	[sflag:s24] =	ssyncadd.s32 $0xFFFFC000  }
0xea: {  	[hbm4b:s17+s3] =	stream.linear.scatter [tilespmem:s26], [sflag:$0x3], $0x4000, $0x38;
	[tilespmem:$0x1EE00] =	vst v63  }
0xeb: {  	s0 =	sadd.s32 $0x1, s0  }
0xec: {  	_ =	swait.ge [sflag:s29], $0x4000;
	p0 =	sne.s32 s0, s16  }
.Ltmp2:
0xed: {  	[sflag:s29] =	ssyncset.done $0x0;
	(pc) =	sbr.rel @p0 .LBB2_1-.Ltmp2, $4  }
0xee: {  	[sflag:s29] =	ssyncadd.s32 $0xFFFFC000  }
0xef: {  	_ =	swait.ge [sflag:s31], $0x4000  }
0xf0: {  	[sflag:s31] =	ssyncset.done $0x0  }
0xf1: {  	[sflag:s31] =	ssyncadd.s32 $0xFFFFC000  }
0xf2: {  	_ =	sfence.sel $0x180000  }
0xf3: {  	[bflag:$0x0] =	sbarrier.arrive $0xFFFF  }
0xf4: {  	_ =	strace $0x90000047  }
0xf5: {  	s0 =	stileid.u32;
	[bflag:$0x2] =	sbarrier.arrive $0xFFFF  }
0xf6: {  	p0 =	sne.s32 s0, $0x0;
	s0 =	rddreg [dreg:$0x3]  }
0xf7: {  	s0 =	sadd.s32 @!p0 $0x100000, s0  }
0xf8: {  	[sflag:s0] =	ssyncadd.tile.s32 @!p0 $0x1;
	_ =	shalt  }
.Lfunc_end2:
_tile_overlayer_lowered:
.L_overlay_start_2:
0xf9: {  	(tag) =	ssettag $0x2  }
0xfa: {  	s0 =	rddreg [dreg:$0x0];
	s2 =	stileid.u32  }
0xfb: {  	s1 =	rddreg [dreg:$0x1];
	p0 =	sne.s32 s2, $0x0  }
0xfc: {  	s3 =	rddreg [dreg:$0x2];
	[bflag:$0x3] =	sbarrier.arrive $0xFFFF;
	s2 =	simm.s32 @!p0 $0x1C04  }
0xfd: {  	[timem:s3], [sflag:s2] =	dma.local @!p0 [hbm:s0], s1  }
0xfe: {  	s0 =	simm.s32 @!p0 $0x4  }
0xff: {  	_ =	swait.ge @!p0 [sflag:s0], s1  }
0x100: {  	s1 =	ssub.s32 @!p0 $0x0, s1;
	[sflag:s0] =	ssyncset.done @!p0 $0x0  }
0x101: {  	[sflag:s0] =	ssyncadd.s32 @!p0 s1  }
0x102: {  	[bflag:$0x3] =	sbarrier.arrive $0xFFFF  }
0x103: {  	_ =	shalt  }

// kernel: sparse-core-data-format-call.cloned.1.call-start
scs
called_computation_lowered:
.L_overlay_start_0:
0x0: {  	s2 =	sld [smem:$0x3FD9]  }
0x1: {  	s3 =	sld [smem:$0x3FFE];
	_ =	sdelay $0x1  }
0x2: {  	s1 =	srdreg.scid  }
0x3: {  	s0 =	sand.u32 $0x1, s1  }
0x4: {  	s18 =	sshll.u32 s0, $0xA;
	s2 =	sadd.s32 s3, s2  }
0x5: {  	s2 =	sadd.s32 s2, s18  }
0x6: {  	[smem:$0x3FC6] =	sst s2  }
0x7: {  	_ = 	snop  }
0x8: {  	s2 =	sld [smem:$0x3FD0];
	(tm) =	ssettm $0x1  }
0x9: {  	s19 =	sld [smem:$0x3FFB];
	_ =	sdelay $0x3  }
0xa: {  	_ =	strace s19  }
0xb: {  	s3 =	sld [smem:$0x3FFC];
	_ =	sdelay $0x3  }
0xc: {  	_ =	strace s3  }
0xd: {  	s3 =	sld [smem:$0x3FFD];
	_ =	sdelay $0x3  }
0xe: {  	_ =	strace s3  }
0xf: {  	_ =	strace $0x8FFFFFFF  }
0x10: {  	s20 =	sld [smem:$0x3FDB];
	_ =	sdelay $0x1  }
0x11: {  	s4 =	simm.s32 $_scs_section_size  }
0x12: {  	s5 =	simm.s32 $_size__tile_overlayer_lowered;
	s6 =	simm.s32 $_tile_overlayer_lowered  }
0x13: {  	s23 =	simm.s32 $0x1BFF;
	s22 =	sshll.u32 s6, $0x1;
	s3 =	sadd.s32 s4, s20  }
0x14: {  	s7 =	simm.s32 $0x0;
	s21 =	sshll.u32 s5, $0x1;
	s5 =	sadd.s32 s22, s3  }
0x15: {  	[timem:s7], [sflag:s23] =	dma.local [hbm:s5], s21  }
0x16: {  	_ =	swait.ge [sflag:s23], s21  }
0x17: {  	s4 =	ssub.s32 $0x0, s21;
	[sflag:s23] =	ssyncset.done $0x0  }
0x18: {  	[sflag:s23] =	ssyncadd.s32 s4;
	_ =	sdelay $0x1  }
0x19: {  	s24 =	simm.s32 $0x1B8B  }
0x1a: {  	_ =	swait.ge [sflag:s24], $0x1  }
0x1b: {  	[sflag:s24] =	ssyncset.done $0x0  }
0x1c: {  	s26 =	simm.s32 $0x1B8E;
	s25 =	sld [smem:$0x3FFE];
	[sflag:s24] =	ssyncadd.s32 $0xFFFFFFFF  }
0x1d: {  	s27 =	simm.s32 $execute0_lowered;
	[smem:$0x3FD2] =	sst s26  }
0x1e: {  	s5 =	sshll.u32 s27, $0x1;
	_ =	strace $0x80000049;
	[dreg:$0x1] =	wrdreg $0xFFFFFFFF  }
0x1f: {  	s28 =	simm.s32 $_size_execute0_lowered;
	s3 =	sadd.s32 s3, s5;
	[dreg:$0x0] =	wrdreg $0x0  }
0x20: {  	s5 =	sshll.u32 s28, $0x1;
	[dreg:$0x2] =	wrdreg s3  }
0x21: {  	[dreg:$0x3] =	wrdreg s5  }
0x22: {  	[dreg:$0x4] =	wrdreg $0xC0  }
0x23: {  	_ =	task [dreg:s7], $0x5FFFF  }
0x24: {  	[dreg:$0x1] =	wrdreg $0xFFFFFFFF  }
0x25: {  	[dreg:$0x0] =	wrdreg $0x60  }
0x26: {  	[dreg:$0x2] =	wrdreg s25  }
0x27: {  	[dreg:$0x3] =	wrdreg s2  }
0x28: {  	[dreg:$0x4] =	wrdreg $0x9  }
0x29: {  	_ =	task.clear_ibuf [dreg:s7], $0x5FFFF;
	_ =	strace $0x90000049  }
0x2a: {  	s29 =	simm.s32 $0x9;
	_ =	strace $0x8000004B  }
0x2b: {  	_ =	swait.ge [sflag:s29], $0x1  }
0x2c: {  	[sflag:s29] =	ssyncadd.s32 $0xFFFFFFFF  }
0x2d: {  	_ =	strace $0x9000004B  }
0x2e: {  	_ =	sfence  }
0x2f: {  	s30 =	sld [smem:$0x0];
	_ =	sdelay $0x2  }
0x30: {  	s31 =	sshll.u32 s1, $0xD;
	s1 =	sshrl.u32 s1, $0x2  }
0x31: {  	s3 =	sand.u32 $0x4000, s31;
	s1 =	sadd.s32 s1, s30  }
0x32: {  	s0 =	sor.u32 s3, s0;
	s1 =	sshll.u32 s1, $0x11  }
0x33: {  	s0 =	sor.u32 s1, s0  }
0x34: {  	s0 =	sadd.s32 $0x8F2B, s0  }
0x35: {  	[sflag:s0] =	ssyncadd.remote.s32 $0x1  }
0x36: {  	_ =	sfence.sel $0xFFFF  }
0x37: {  	[dreg:$0x0] =	wrdreg $0xFFFFFFFF;
	(pc) =	sbr.abs _section_cstart, $3  }
0x38: {  	[dreg:$0x1] =	wrdreg $0xFFFFFFFF  }
0x39: {  	_ =	task.clear_ibuf [dreg:s7], $0x2FFFF;
	_ =	strace $0x9FFFFFFF  }
0x3a: {  	(tm) =	ssettm $0x7FFFFFFF  }
0x3b: {  	_ =	shalt  }
tec
execute0_lowered:
.L_overlay_start_1:
0x0: {  	(tag) =	ssettag $0x1  }
0x1: {  	s0 =	srdreg.scid  }
0x2: {  	s1 =	sshll.u32 s0, $0x4  }
0x3: {  	s6 =	rddreg [dreg:$0x0];
	s0 =	stileid.u32;
	s1 =	sand.u32 $0x10, s1  }
0x4: {  	s3 =	rddreg [dreg:$0x1];
	s1 =	sor.u32 s0, s1  }
0x5: {  	s5 =	simm.s32 $0x1;
	s31 =	simm.s32 $0x2;
	s2 =	sshll.u32 s1, $0x7  }
0x6: {  	s15 =	simm.s32 $0x0;
	s8 =	simm.s32 $0xC8000;
	s4 =	ssub.s32 $0x1000, s2  }
0x7: {  	s14 =	simm.s32 $0x0;
	s9 =	simm.s32 $0x0;
	s30 =	sand.u32 $0xF80, s4  }
0x8: {  	s10 =	simm.s32 $0x0;
	s11 =	simm.s32 $0x0;
	p0 =	sne.s32 s30, $0x0  }
.Ltmp0:
0x9: {  	s7 =	sshrl.u32 s4, $0xC;
	s5 =	simm.s32 @!p0 $0x0;
	(pc) =	sbr.rel .LBB1_1-.Ltmp0, $4  }
0xa: {  	s13 =	simm.s32 $0x0;
	s1 =	rddreg [dreg:$0x2];
	s5 =	sadd.s32 s5, s7  }
0xb: {  	_ =	strace $0x8000004A;
	s4 =	simm.s32 $0x1;
	s5 =	smul.u32 $0xC8, s5  }
0xc: {  	s6 =	sadd.s32 $0x19A00, s6;
	s12 =	smov.u32 s2;
	[sflag:s4] =	ssyncpa.u1 $0x0  }
0xd: {  	[sflag:s31] =	ssyncpa.u1 $0x0;
	p0 =	por $0x0, $0x0;
	s7 =	sor.u32 $0x1, s5  }
.LBB1_4:
0xe: {  	s20 =	sshra.s32 s20, $0x2;
	s27 =	sshll.u32 s9, $0xC  }
0xf: {  	s21 =	sand.u32 $0x78, s10;
	s22 =	sshll.u32 s10, $0x3;
	s24 =	sshll.u32 s9, $0x7  }
0x10: {  	p1 =	sgt.s32 s9, $0xC7;
	s30 =	sshra.s32 s9, $0x1F;
	s25 =	sshra.s32 s10, $0x1F  }
0x11: {  	s19 =	sadd.s32 s20, s19;
	s20 =	sand.u32 $0xFFFF8000, s27;
	s23 =	sand.u32 $0xFFFFFC00, s22  }
0x12: {  	v5 =	vld [tilespmem:s17+$0xFFFFFFD0];
	[tilespmem:s18+$0x2040 ss:$0x81] =	vst.msk $0xffff, v4;
	s22 =	sand.u32 $0xC00, s22;
	s28 =	sand.u32 $0x380, s24;
	s31 =	sand.u32 s30, s9  }
0x13: {  	v58 =	vld [tilespmem:s17+$0xFFFFFFE0];
	[tilespmem:s18+$0x2850 ss:$0x81] =	vst.msk $0xffff, v3;
	s24 =	smov.u32 s10;
	s25 =	sand.u32 s25, s10;
	s20 =	sadd.s32 s23, s20  }
0x14: {  	v59 =	vld [tilespmem:s17+$0xFFFFFFF0];
	[tilespmem:s18+$0x3060 ss:$0x81] =	vst.msk $0xffff, v2;
	s21 =	sor.u32 s21, s22;
	s22 =	smov.u32 s9;
	s20 =	sshrl.u32 s20, $0xC  }
0x15: {  	v60 =	vld [tilespmem:s17+$0x0];
	[tilespmem:s18+$0x0 ss:$0x81] =	vst.msk $0xffff, v1;
	s22 =	simm.s32 @!p1 $0xC7;
	p1 =	sgt.s32 s10, $0xF80;
	s29 =	smulhi.u32 $0x147AE15, s20  }
0x16: {  	v61 =	vld [tilespmem:s17+$0x10];
	[tilespmem:s19+$0x3870 ss:$0x81] =	vst.msk $0xffff, v0;
	s21 =	sor.u32 s28, s21;
	s18 =	ssub.s32 s22, s31;
	s24 =	simm.s32 @!p1 $0xF80  }
0x17: {  	v62 =	vld [tilespmem:s17+$0x20];
	[tilespmem:s19+$0x810 ss:$0x81] =	vst.msk $0xffff, v5;
	s22 =	ssub.s32 s24, s25;
	s26 =	ssub.s32 $0xC8, s18;
	s23 =	smul.u32 $0xC8, s29  }
0x18: {  	v63 =	vld [tilespmem:s17+$0xFFFFFFC0];
	[tilespmem:s19+$0x1020 ss:$0x81] =	vst.msk $0xffff, v58;
	s27 =	sadd.s32 $0xFFFFFF39, s18;
	s18 =	smul.u32 $0x64, s26;
	s28 =	sadd.s32 $0xFFFFF080, s22  }
0x19: {  	[tilespmem:s19+$0x1830 ss:$0x81] =	vst.msk $0xffff, v59;
	p1 =	sgt.s32 s27, $0x0;
	s17 =	ssub.s32 $0x1000, s22;
	p2 =	sgt.s32 s28, $0x7F  }
0x1a: {  	s30 =	sand.u32 $0x7, s10;
	[tilespmem:s19+$0x2040 ss:$0x81] =	vst.msk $0xffff, v60;
	s18 =	simm.s32 @p1 $0x0;
	s17 =	simm.s32 @p2 $0x0  }
0x1b: {  	[tilespmem:s19+$0x2850 ss:$0x81] =	vst.msk $0xffff, v61;
	s29 =	sshrl.u32 s21, $0x3;
	s20 =	ssub.s32 s20, s23;
	s17 =	smul.u32 s17, s18  }
0x1c: {  	[tilespmem:s19+$0x3060 ss:$0x81] =	vst.msk $0xffff, v62;
	s21 =	sshll.u32 s30, $0x12;
	s20 =	sshll.u32 s20, $0x9;
	s18 =	sadd.s32 s3, s29  }
0x1d: {  	[tilespmem:s19+$0x0 ss:$0x81] =	vst.msk $0xffff, v63;
	s31 =	sor.u32 $0x80, s21;
	s18 =	sadd.s32 s20, s18;
	s17 =	sand.u32 $0x3FFFFFFC, s17  }
0x1e: {  	[hbm4b:s18+s31] =	stream.strided.scatter [tilespmem:s16], [sflag:$0x2], s17, s8, s31, $0x20;
	[tilespmem:$0x10100] =	vst v63  }
.LBB1_5:
0x1f: {  	p1 =	slt.u32 s13, $0x2  }
0x20: {  	s17 =	smov.u32 s15;
	p2 =	sgt.s32 @!p1 s15, $0xC7;
	s16 =	sshra.s32 @!p1 s15, $0x1F  }
0x21: {  	p3 =	sgt.s32 @!p1 s14, $0xF80;
	s18 =	sshra.s32 @!p1 s14, $0x1F;
	p2 =	por !p2, p1  }
0x22: {  	s15 =	sand.u32 @!p1 s16, s15;
	p3 =	por !p3, p1;
	s16 =	smov.u32 s14  }
0x23: {  	s14 =	sand.u32 @!p1 s18, s14;
	s17 =	simm.s32 @p2 $0xC7;
	s16 =	simm.s32 @p3 $0xF80  }
0x24: {  	s18 =	smov.u32 s12;
	s15 =	ssub.s32 @!p1 s17, s15;
	s14 =	ssub.s32 @!p1 s16, s14  }
0x25: {  	s16 =	sadd.s32 @!p1 $0xFFFFFF39, s15;
	s15 =	ssub.s32 @!p1 $0xC8, s15;
	s17 =	sadd.s32 @!p1 $0xFFFFF080, s14  }
0x26: {  	p2 =	sgt.s32 @!p1 s16, $0x0;
	s15 =	smul.u32 @!p1 $0x64, s15;
	p3 =	sgt.s32 @!p1 s17, $0x7F  }
0x27: {  	s14 =	ssub.s32 @!p1 $0x1000, s14;
	p2 =	por !p2, p1;
	p3 =	por !p3, p1  }
0x28: {  	s16 =	sadd.s32 $0x1, s11;
	s15 =	simm.s32 @!p2 $0x0;
	s14 =	simm.s32 @!p3 $0x0  }
0x29: {  	p2 =	sgt.s32 s16, $0xC7;
	s14 =	smul.u32 @!p1 s14, s15;
	s15 =	sadd.s32 $0x1000, s12  }
0x2a: {  	s18 =	smov.u32 @p2 s15  }
0x2b: {  	s16 =	simm.s32 @p2 $0x0;
	p2 =	sgt.s32 s18, $0xFFF  }
0x2c: {  	s18 =	smov.u32 @p2 s2;
	p2 =	sne.s32 s13, s7  }
.Ltmp1:
0x2d: {  	p0 =	por !p0, !p0;
	s17 =	simm.s32 @!p1 $0x2;
	(pc) =	sbr.rel @!p2 .LBB1_6-.Ltmp1, $4  }
0x2e: {  	s15 =	smov.u32 s9;
	s9 =	smov.u32 s11;
	s14 =	sand.u32 @!p1 $0x3FFFFFFC, s14  }
0x2f: {  	s11 =	smov.u32 s16;
	_ =	swait.ge @!p1 [sflag:s17], s14;
	s19 =	ssub.s32 @!p1 $0x0, s14  }
0x30: {  	s14 =	smov.u32 s10;
	s13 =	sadd.s32 $0x1, s13;
	[sflag:s17] =	ssyncset.done @!p1 $0x0  }
0x31: {  	s10 =	smov.u32 s12;
	s12 =	smov.u32 s18;
	[sflag:s17] =	ssyncadd.s32 @!p1 s19  }
.LBB1_1:
0x32: {  	p1 =	sge.u32 s13, s5  }
0x33: {  	s16 =	sand.u32 @!p1 $0x1FFFFFF, s11  }
0x34: {  	s17 =	smulhi.u32 @!p1 $0x147AE15, s16;
	_ =	sdelay $0x1  }
0x35: {  	s17 =	smul.u32 @!p1 $0xC8, s17  }
0x36: {  	s18 =	sxor.u32 @!p1 $0xFFFFFFFF, s13;
	s19 =	smul.u32 @!p1 $0xC80, s12  }
0x37: {  	s31 =	sadd.s32 $0xFFFFFFFF, s13;
	s18 =	sshll.u32 @!p1 s18, $0xE;
	s16 =	ssub.s32 @!p1 s16, s17  }
0x38: {  	s17 =	sand.u32 @!p1 $0x4000, s18;
	s18 =	sadd.s32 @!p1 s6, s19;
	s16 =	sshll.u32 @!p1 s16, $0x4  }
0x39: {  	s19 =	simm.s32 @!p1 $0x6400;
	s16 =	sadd.s32 @!p1 s16, s18;
	s18 =	simm.s32 @!p1 $0x80  }
0x3a: {  	[tilespmem:s17], [sflag:$0x1] =	stream.strided.gather @!p1 [hbm4b:s16+s18], $0x4000, s19, s18, $0x38;
	[tilespmem:$0x10100] =	vst v63  }
0x3b: {  	p1 =	sge.u32 s31, s5  }
.Ltmp2:
0x3c: {  	_ = 	snop;
	(pc) =	sbr.rel @p1 .LBB1_5-.Ltmp2, $1  }
0x3d: {  	_ =	sdelay $0x3  }
0x3e: {  	s16 =	simm.s32 $0x1  }
0x3f: {  	_ =	swait.ge [sflag:s4], $0x4000;
	s16 =	simm.s32 @!p0 $0x0  }
0x40: {  	[sflag:s4] =	ssyncset.done $0x0;
	s17 =	sshll.u32 s16, $0xE  }
0x41: {  	[sflag:s4] =	ssyncadd.s32 $0xFFFFC000;
	s17 =	sor.u32 $0x40, s17  }
0x42: {  	s16 =	smul.u32 $0x10200, s16;
	v0 =	vld [tilespmem:s17+$0x30]  }
0x43: {  	v1 =	vld [tilespmem:s17+$0xFFFFFFD0]  }
0x44: {  	s16 =	sshrl.u32 s16, $0x2;
	v5 =	vld [tilespmem:s17+$0xFFFFFFE0]  }
0x45: {  	v6 =	vld [tilespmem:s17+$0xFFFFFFF0];
	s19 =	sor.u32 $0x8000, s16  }
0x46: {  	s31 =	sand.u32 $0x1, s13;
	v4 =	vld [tilespmem:s17+$0x0];
	s18 =	sadd.s32 $0x0, s19  }
0x47: {  	v3 =	vld [tilespmem:s17+$0x10];
	s16 =	smul.u32 $0x10200, s31;
	[tilespmem:s18+$0x3870 ss:$0x81] =	vst.msk $0xffff, v0  }
0x48: {  	v2 =	vld [tilespmem:s17+$0x20];
	[tilespmem:s18+$0x810 ss:$0x81] =	vst.msk $0xffff, v1  }
0x49: {  	s16 =	sshrl.u32 s16, $0x2;
	v1 =	vld [tilespmem:s17+$0xFFFFFFC0];
	[tilespmem:s18+$0x1020 ss:$0x81] =	vst.msk $0xffff, v5;
	s17 =	sadd.s32 $0x80, s17  }
0x4a: {  	s20 =	simm.s32 $0x4;
	s21 =	simm.s32 $0x8;
	s16 =	sor.u32 $0x8000, s16;
	[tilespmem:s18+$0x1830 ss:$0x81] =	vst.msk $0xffff, v6;
	v0 =	vld [tilespmem:s17+$0x30]  }
.LBB1_3:
0x4b: {  	p1 =	sne.s32 s21, $0x1FC;
	v5 =	vld [tilespmem:s17+$0xFFFFFFD0];
	[tilespmem:s18+$0x2040 ss:$0x81] =	vst.msk $0xffff, v4  }
0x4c: {  	v6 =	vld [tilespmem:s17+$0xFFFFFFE0];
	[tilespmem:s18+$0x2850 ss:$0x81] =	vst.msk $0xffff, v3  }
0x4d: {  	s22 =	sshra.s32 s20, $0x2;
	s20 =	smov.u32 s21;
	v7 =	vld [tilespmem:s17+$0xFFFFFFF0];
	[tilespmem:s18+$0x3060 ss:$0x81] =	vst.msk $0xffff, v2  }
.Ltmp3:
0x4e: {  	v4 =	vld [tilespmem:s17+$0x0];
	[tilespmem:s18+$0x0 ss:$0x81] =	vst.msk $0xffff, v1;
	s18 =	sadd.s32 s22, s19;
	(pc) =	sbr.rel @p1 .LBB1_3-.Ltmp3, $4  }
0x4f: {  	v3 =	vld [tilespmem:s17+$0x10];
	[tilespmem:s18+$0x3870 ss:$0x81] =	vst.msk $0xffff, v0  }
0x50: {  	[tilespmem:s18+$0x810 ss:$0x81] =	vst.msk $0xffff, v5;
	v2 =	vld [tilespmem:s17+$0x20]  }
0x51: {  	v1 =	vld [tilespmem:s17+$0xFFFFFFC0];
	[tilespmem:s18+$0x1020 ss:$0x81] =	vst.msk $0xffff, v6;
	s17 =	sadd.s32 $0x80, s17  }
0x52: {  	s21 =	sadd.s32 $0x4, s21;
	v0 =	vld [tilespmem:s17+$0x30];
	[tilespmem:s18+$0x1830 ss:$0x81] =	vst.msk $0xffff, v7  }
.Ltmp4:
0x53: {  	_ = 	snop;
	(pc) =	sbr.rel .LBB1_4-.Ltmp4, $1  }
0x54: {  	_ =	sdelay $0x3  }
.LBB1_6:
0x55: {  	_ =	sfence.sel $0x180000  }
0x56: {  	s2 =	simm.s32 $0x1;
	[bflag:$0x0] =	sbarrier.arrive $0xFFFF  }
0x57: {  	s31 =	simm.s32 $0x2;
	[sflag:s2] =	ssyncpa.u1 $0x1  }
0x58: {  	[sflag:s31] =	ssyncpa.u1 $0x1  }
0x59: {  	p0 =	sne.s32 s0, $0x0;
	_ =	strace $0x9000004A  }
0x5a: {  	s0 =	sadd.s32 @!p0 $0x100000, s1;
	[bflag:$0x2] =	sbarrier.arrive $0xFFFF  }
0x5b: {  	[sflag:s0] =	ssyncadd.tile.s32 @!p0 $0x1;
	_ =	shalt  }
.Lfunc_end1:
_tile_overlayer_lowered:
.L_overlay_start_2:
0x5c: {  	(tag) =	ssettag $0x2  }
0x5d: {  	s0 =	rddreg [dreg:$0x0];
	s2 =	stileid.u32  }
0x5e: {  	s1 =	rddreg [dreg:$0x1];
	p0 =	sne.s32 s2, $0x0  }
0x5f: {  	s3 =	rddreg [dreg:$0x2];
	[bflag:$0x3] =	sbarrier.arrive $0xFFFF;
	s2 =	simm.s32 @!p0 $0x1C01  }
0x60: {  	[timem:s3], [sflag:s2] =	dma.local @!p0 [hbm:s0], s1  }
0x61: {  	s0 =	simm.s32 @!p0 $0x1  }
0x62: {  	_ =	swait.ge @!p0 [sflag:s0], s1  }
0x63: {  	s1 =	ssub.s32 @!p0 $0x0, s1;
	[sflag:s0] =	ssyncset.done @!p0 $0x0  }
0x64: {  	[sflag:s0] =	ssyncadd.s32 @!p0 s1  }
0x65: {  	[bflag:$0x3] =	sbarrier.arrive $0xFFFF  }
0x66: {  	_ =	shalt  }

</sc_bundles>
